<compile_context>
chip_gen: v7x
topology: tpu7x:2x2x1
jax: 0.10.2.dev20260603
libtpu: 0.0.44.dev20260713+nightly
codegen_flags: <defaults>
</compile_context>

<pallas_src>
import functools

import jax
import jax.numpy as jnp
from jax import lax
from jax.experimental import pallas as pl
from jax.experimental.pallas import tpu as pltpu
from jax.experimental.pallas import tpu_sc as plsc

N = 10000
E = 320000
B = 16
DIN = 128
D1 = 100
D1P = 128
D2 = 20
D2P = 128
DSF = 3

NC = 2
NS = 16
E_PER_TILE = E // (NC * NS)
CH = 80
N_CHUNKS = E_PER_TILE // CH
STRIPE = 632
STRIPE_LAST = N - (NS - 1) * STRIPE


def _make_sc_scatter(D):
  mesh = plsc.VectorSubcoreMesh(core_axis_name="c", subcore_axis_name="s")

  @functools.partial(
      pl.kernel,
      out_type=jax.ShapeDtypeStruct((NC, N, D), jnp.float32),
      mesh=mesh,
      scratch_types=[
          pltpu.VMEM((E_PER_TILE,), jnp.int32),
          pltpu.VMEM((E_PER_TILE,), jnp.int32),
          pltpu.VMEM((CH, D), jnp.float32),
          pltpu.VMEM((CH, D), jnp.float32),
          pltpu.VMEM_SHARED((N, D), jnp.float32),
          pltpu.SemaphoreType.DMA,
          pltpu.SemaphoreType.DMA,
      ],
  )
  def sc_scatter(y_hbm, src_hbm, dst_hbm, zeros_hbm, out_hbm,
                 src_v, dst_v, rows_a, rows_b, acc, sem_a, sem_b):
    c = lax.axis_index("c")
    s = lax.axis_index("s")
    t = c * NS + s
    r0 = s * STRIPE
    pltpu.async_copy(src_hbm.at[t], src_v, sem_a)
    pltpu.async_copy(dst_hbm.at[t], dst_v, sem_b)

    @pl.when(s < NS - 1)
    def _():
      pltpu.sync_copy(zeros_hbm.at[pl.ds(r0, STRIPE), :],
                      acc.at[pl.ds(r0, STRIPE), :])

    @pl.when(s == NS - 1)
    def _():
      pltpu.sync_copy(zeros_hbm.at[pl.ds((NS - 1) * STRIPE, STRIPE_LAST), :],
                      acc.at[pl.ds((NS - 1) * STRIPE, STRIPE_LAST), :])

    pltpu.make_async_copy(src_hbm.at[t], src_v, sem_a).wait()
    pltpu.make_async_copy(dst_hbm.at[t], dst_v, sem_b).wait()

    def src_l(i):
      return src_v.at[pl.ds(i * CH, CH)]

    def dst_l(i):
      return dst_v.at[pl.ds(i * CH, CH)]

    pltpu.async_copy(y_hbm.at[src_l(0)], rows_a, sem_a)
    plsc.subcore_barrier()

    def body(j, _):
      ca4 = 4 * j
      for k in (0, 2):
        ca = ca4 + k
        pltpu.async_copy(y_hbm.at[src_l(ca + 1)], rows_b, sem_b)
        pltpu.make_async_copy(y_hbm.at[src_l(ca)], rows_a, sem_a).wait()
        pltpu.sync_copy(rows_a, acc.at[dst_l(ca)], add=True)
        pltpu.async_copy(y_hbm.at[src_l(ca + 2)], rows_a, sem_a)
        pltpu.make_async_copy(y_hbm.at[src_l(ca + 1)], rows_b, sem_b).wait()
        pltpu.sync_copy(rows_b, acc.at[dst_l(ca + 1)], add=True)
      return 0

    lax.fori_loop(0, (N_CHUNKS - 1) // 4, body, 0)
    pltpu.make_async_copy(y_hbm.at[src_l(N_CHUNKS - 1)], rows_a,
                          sem_a).wait()
    pltpu.sync_copy(rows_a, acc.at[dst_l(N_CHUNKS - 1)], add=True)
    plsc.subcore_barrier()

    @pl.when(s < NS - 1)
    def _():
      pltpu.sync_copy(acc.at[pl.ds(r0, STRIPE), :],
                      out_hbm.at[c].at[pl.ds(r0, STRIPE), :])

    @pl.when(s == NS - 1)
    def _():
      pltpu.sync_copy(acc.at[pl.ds((NS - 1) * STRIPE, STRIPE_LAST), :],
                      out_hbm.at[c].at[pl.ds((NS - 1) * STRIPE, STRIPE_LAST), :])

  return sc_scatter


_sc_scatter_1 = _make_sc_scatter(D1P)
_sc_scatter_2 = _make_sc_scatter(D2P)


def _mm1_body(x_ref, w_ref, o_ref):
  y = lax.dot_general(x_ref[...], w_ref[...], (((1,), (1,)), ((), ())),
                      preferred_element_type=jnp.float32)
  o_ref[...] = jnp.concatenate(
      [y, jnp.ones((_MB, 1), jnp.float32),
       jnp.zeros((_MB, D1P - D1 - 1), jnp.float32)], axis=1)


_MB = 1000


def _mm1(x, w1):
  return pl.pallas_call(
      _mm1_body,
      grid=(N // _MB,),
      in_specs=[
          pl.BlockSpec((_MB, DIN), lambda i: (i, 0)),
          pl.BlockSpec((D1, DIN), lambda i: (0, 0)),
      ],
      out_specs=pl.BlockSpec((_MB, D1P), lambda i: (i, 0)),
      out_shape=jax.ShapeDtypeStruct((N, D1P), jnp.float32),
  )(x, w1)


def _mid_body(pa_ref, pb_ref, y1_ref, w2_ref, b1_ref, o_ref, deg_ref):
  accs = pa_ref[...] + pb_ref[...]
  col = lax.broadcasted_iota(jnp.int32, (_MB, D1P), 1)
  deg = jnp.sum(jnp.where(col == D1, accs, 0.0), axis=1, keepdims=True)
  mean = accs / jnp.maximum(deg, 1.0)
  agg = jnp.where(deg > 0.0, mean, y1_ref[...])
  h1 = jnp.maximum(agg[:, :D1] + b1_ref[...], 0.0)
  y2 = lax.dot_general(h1, w2_ref[...], (((1,), (1,)), ((), ())),
                       preferred_element_type=jnp.float32)
  o_ref[...] = jnp.concatenate(
      [y2, jnp.zeros((_MB, D2P - D2), jnp.float32)], axis=1)
  deg_ref[...] = deg


def _mid(pa, pb, y1p, w2, b1r):
  return pl.pallas_call(
      _mid_body,
      grid=(N // _MB,),
      in_specs=[
          pl.BlockSpec((_MB, D1P), lambda i: (i, 0)),
          pl.BlockSpec((_MB, D1P), lambda i: (i, 0)),
          pl.BlockSpec((_MB, D1P), lambda i: (i, 0)),
          pl.BlockSpec((D2, D1), lambda i: (0, 0)),
          pl.BlockSpec((1, D1), lambda i: (0, 0)),
      ],
      out_specs=[
          pl.BlockSpec((_MB, D2P), lambda i: (i, 0)),
          pl.BlockSpec((_MB, 1), lambda i: (i, 0)),
      ],
      out_shape=[
          jax.ShapeDtypeStruct((N, D2P), jnp.float32),
          jax.ShapeDtypeStruct((N, 1), jnp.float32),
      ],
  )(pa, pb, y1p, w2, b1r)


def _bn(x, g, b):
  mu = jnp.mean(x, axis=0, keepdims=True)
  var = jnp.mean((x - mu) ** 2, axis=0, keepdims=True)
  return (x - mu) / jnp.sqrt(var + 1e-5) * g + b


def _final_body(pa_ref, pb_ref, y2_ref, deg_ref, gid_ref, b2_ref, sf_ref,
                fc1s_ref, fc1b_ref, g1_ref, bb1_ref,
                fc2w_ref, fc2b_ref, g2_ref, bb2_ref,
                fc3w_ref, fc3b_ref, o_ref):
  deg = deg_ref[...]
  acc2 = pa_ref[...] + pb_ref[...]
  mean2 = acc2 / jnp.maximum(deg, 1.0)
  agg2 = jnp.where(deg > 0.0, mean2, y2_ref[...])
  h2 = jnp.maximum(agg2[:, :D2] + b2_ref[...], 0.0)
  gcol = lax.broadcasted_iota(jnp.int32, (N, B), 1)
  onehot = jnp.where(gid_ref[...] == gcol, 1.0, 0.0)
  gsum = lax.dot_general(onehot, h2, (((0,), (0,)), ((), ())),
                         preferred_element_type=jnp.float32)
  cnt = lax.dot_general(onehot, jnp.ones((N, 1), jnp.float32),
                        (((0,), (0,)), ((), ())),
                        preferred_element_type=jnp.float32)
  hg = gsum / jnp.maximum(cnt, 1.0)
  sf = sf_ref[...]
  out1 = fc1b_ref[...]
  for v in range(DSF):
    out1 = out1 + jnp.dot(hg, fc1s_ref[v * D2:(v + 1) * D2, :],
                          preferred_element_type=jnp.float32) * sf[:, v:v + 1]
  a1 = jnp.maximum(_bn(out1, g1_ref[...], bb1_ref[...]), 0.0)
  out2 = lax.dot_general(a1, fc2w_ref[...], (((1,), (1,)), ((), ())),
                         preferred_element_type=jnp.float32) + fc2b_ref[...]
  a2 = jnp.maximum(_bn(out2, g2_ref[...], bb2_ref[...]), 0.0)
  o_ref[...] = lax.dot_general(a2, fc3w_ref[...], (((1,), (1,)), ((), ())),
                               preferred_element_type=jnp.float32) + fc3b_ref[...]


def _final(pa, pb, y2p, deg, gidf, b2r, sf, fc1s, fc1b, g1, bb1,
           fc2w, fc2b, g2, bb2, fc3w, fc3b):
  return pl.pallas_call(
      _final_body,
      out_shape=jax.ShapeDtypeStruct((B, 8), jnp.float32),
  )(pa, pb, y2p, deg, gidf, b2r, sf, fc1s, fc1b, g1, bb1,
    fc2w, fc2b, g2, bb2, fc3w, fc3b)


def kernel(x, edge_index, graph_ids, self_feat, W1, b1, W2, b2,
           fc1_W, fc1_b, fc2_W, fc2_b, fc3_W, fc3_b,
           bn1_g, bn1_b, bn2_g, bn2_b):
  src2d = edge_index[0].reshape(NC * NS, E_PER_TILE)
  dst2d = edge_index[1].reshape(NC * NS, E_PER_TILE)
  zeros1 = jnp.zeros((N, D1P), jnp.float32)
  zeros2 = jnp.zeros((N, D2P), jnp.float32)
  gidf = graph_ids.reshape(N, 1)
  fc1s = fc1_W.reshape(32, D2, DSF).transpose(2, 1, 0).reshape(DSF * D2, 32)

  y1p = _mm1(x, W1)
  part1 = _sc_scatter_1(y1p, src2d, dst2d, zeros1)
  y2p, deg = _mid(part1[0], part1[1], y1p, W2,
                  b1.reshape(1, D1))
  part2 = _sc_scatter_2(y2p, src2d, dst2d, zeros2)
  out = _final(part2[0], part2[1], y2p, deg, gidf, b2.reshape(1, D2),
               self_feat, fc1s, fc1_b.reshape(1, 32), bn1_g.reshape(1, 32),
               bn1_b.reshape(1, 32), fc2_W, fc2_b.reshape(1, 8),
               bn2_g.reshape(1, 8), bn2_b.reshape(1, 8),
               fc3_W, fc3_b.reshape(1, 8))
  return out

# --- scband reference (transcript-rebuilt; emitter-appended) ---
"""Pipeline reference for scband-kronecker-net-3-12403865551675 (READ-ONLY COPY).

The authoritative reference and input builder live on the scoring server;
editing this copy changes nothing except your own understanding.
"""

import jax, jax.numpy as jnp
import numpy as np

N = 10000
E = 320000
B = 16
DIN = 128
DOUT = 8
DSF = 3


def setup_inputs(seed: int = 0) -> dict:
    key = jax.random.key(seed)
    ks = jax.random.split(key, 20)
    x = jax.random.normal(ks[0], (N, DIN), dtype=jnp.float32)
    edge_index = jax.random.randint(ks[1], (2, E), 0, N, dtype=jnp.int32)
    graph_ids = jnp.sort(jax.random.randint(ks[2], (N,), 0, B, dtype=jnp.int32))
    self_feat = jax.random.normal(ks[3], (B, DSF), dtype=jnp.float32)
    W1 = jax.random.normal(ks[4], (100, DIN), dtype=jnp.float32) * 0.05
    b1 = jnp.zeros((100,), jnp.float32)
    W2 = jax.random.normal(ks[5], (20, 100), dtype=jnp.float32) * 0.05
    b2 = jnp.zeros((20,), jnp.float32)
    fc1_W = jax.random.normal(ks[6], (32, 20 * DSF), dtype=jnp.float32) * 0.05
    fc1_b = jnp.zeros((32,), jnp.float32)
    fc2_W = jax.random.normal(ks[7], (8, 32), dtype=jnp.float32) * 0.05
    fc2_b = jnp.zeros((8,), jnp.float32)
    fc3_W = jax.random.normal(ks[8], (DOUT, 8), dtype=jnp.float32) * 0.05
    fc3_b = jnp.zeros((DOUT,), jnp.float32)
    bn1_g = jnp.ones((32,), jnp.float32)
    bn1_b = jnp.zeros((32,), jnp.float32)
    bn2_g = jnp.ones((8,), jnp.float32)
    bn2_b = jnp.zeros((8,), jnp.float32)
    return {"x": x, "edge_index": edge_index, "graph_ids": graph_ids, "self_feat": self_feat,
            "W1": W1, "b1": b1, "W2": W2, "b2": b2,
            "fc1_W": fc1_W, "fc1_b": fc1_b, "fc2_W": fc2_W, "fc2_b": fc2_b,
            "fc3_W": fc3_W, "fc3_b": fc3_b,
            "bn1_g": bn1_g, "bn1_b": bn1_b, "bn2_g": bn2_g, "bn2_b": bn2_b}


def _gcn_layer(h, src, dst, W, b):
    # DGL copy_u -> mailbox mean reduce -> linear apply.
    msg_sum = jax.ops.segment_sum(h[src], dst, num_segments=N)
    deg = jax.ops.segment_sum(jnp.ones((src.shape[0],), jnp.float32), dst, num_segments=N)
    mean = msg_sum / jnp.maximum(deg, 1.0)[:, None]
    # nodes with zero in-degree keep their previous 'h' (DGL update_all semantics)
    agg = jnp.where((deg > 0)[:, None], mean, h)
    return agg @ W.T + b


def _bn(x, g, b):
    mu = jnp.mean(x, axis=0)
    var = jnp.var(x, axis=0)
    return (x - mu) / jnp.sqrt(var + 1e-5) * g + b


def reference(x, edge_index, graph_ids, self_feat, W1, b1, W2, b2,
              fc1_W, fc1_b, fc2_W, fc2_b, fc3_W, fc3_b,
              bn1_g, bn1_b, bn2_g, bn2_b):
    src = edge_index[0]
    dst = edge_index[1]
    h = jax.nn.relu(_gcn_layer(x, src, dst, W1, b1))
    h = jax.nn.relu(_gcn_layer(h, src, dst, W2, b2))
    # dgl.mean_nodes readout per graph
    gsum = jax.ops.segment_sum(h, graph_ids, num_segments=B)
    cnt = jax.ops.segment_sum(jnp.ones((N,), jnp.float32), graph_ids, num_segments=B)
    hg = gsum / jnp.maximum(cnt, 1.0)[:, None]
    # bmm(hg[:, :, None], self_feat[:, None, :]) -> outer product per graph
    hg = hg[:, :, None] * self_feat[:, None, :]
    hg = hg.reshape(B, -1)
    out = jax.nn.relu(_bn(hg @ fc1_W.T + fc1_b, bn1_g, bn1_b))
    # dropout is identity in deterministic/eval reference
    out = jax.nn.relu(_bn(out @ fc2_W.T + fc2_b, bn2_g, bn2_b))
    out = out @ fc3_W.T + fc3_b
    return out

if __name__ == "__main__":
    import jax
    _d = setup_inputs()
    print(jax.jit(kernel)(*tuple(_d.values())))

</pallas_src>

<mosaic_0001>
#map = affine_map<(d0, d1) -> (0, 0)>
#map1 = affine_map<(d0, d1) -> (0, 0, 0)>
module attributes {stable_mosaic.version = 14 : i64} {
  func.func @sc_scatter(%arg0: i32, %arg1: i32, %arg2: memref<10000x128xf32, #tpu.memory_space<hbm>>, %arg3: memref<32x10000xi32, #tpu.memory_space<hbm>>, %arg4: memref<32x10000xi32, #tpu.memory_space<hbm>>, %arg5: memref<10000x128xf32, #tpu.memory_space<hbm>>, %arg6: memref<2x10000x128xf32, #tpu.memory_space<hbm>>, %arg7: memref<10000xi32, #tpu.memory_space<vmem>>, %arg8: memref<10000xi32, #tpu.memory_space<vmem>>, %arg9: memref<80x128xf32, #tpu.memory_space<vmem>>, %arg10: memref<80x128xf32, #tpu.memory_space<vmem>>, %arg11: memref<10000x128xf32, #tpu.memory_space<vmem_shared>>, %arg12: memref<!tpu.dma_semaphore, #tpu.memory_space<semaphore_mem>>, %arg13: memref<!tpu.dma_semaphore, #tpu.memory_space<semaphore_mem>>) attributes {dimension_semantics = [#tpu.dimension_semantics<core_parallel>, #tpu.dimension_semantics<subcore_parallel>], iteration_bounds = array<i64: 2, 16>, scalar_prefetch = 0 : i64, scratch_operands = 7 : i64, tpu.core_type = #tpu.core_type<sc_vector_subcore>, window_params = [{transform_indices = #map}, {transform_indices = #map}, {transform_indices = #map}, {transform_indices = #map}, {transform_indices = #map1}]} {
    %mul3A = arith.constant 16 : i32
    %mul3A_0 = arith.muli %arg0, %mul3A : i32
    %add3A = arith.addi %mul3A_0, %arg1 : i32
    %mul3A_1 = arith.constant 632 : i32
    %mul3A_2 = arith.muli %arg1, %mul3A_1 : i32
    %dma_start3A = arith.constant 0 : i32
    %dma_start3A_3 = tpu.memref_slice %arg3[%add3A, %dma_start3A] : memref<32x10000xi32, #tpu.memory_space<hbm>> -> memref<1x10000xi32, #tpu.memory_space<hbm>>
    %dma_start3A_4 = tpu.memref_squeeze %dma_start3A_3 : memref<1x10000xi32, #tpu.memory_space<hbm>> -> memref<10000xi32, #tpu.memory_space<hbm>>
    %dma_start3A_5 = arith.constant 0 : i32
    %dma_start3A_6 = tpu.memref_slice %arg3[%add3A, %dma_start3A_5] : memref<32x10000xi32, #tpu.memory_space<hbm>> -> memref<1x10000xi32, #tpu.memory_space<hbm>>
    %dma_start3A_7 = tpu.memref_squeeze %dma_start3A_6 : memref<1x10000xi32, #tpu.memory_space<hbm>> -> memref<10000xi32, #tpu.memory_space<hbm>>
    tpu.enqueue_dma source(%dma_start3A_7 : memref<10000xi32, #tpu.memory_space<hbm>>) target(%arg7 : memref<10000xi32, #tpu.memory_space<vmem>>) target_semaphore(%arg12 : memref<!tpu.dma_semaphore, #tpu.memory_space<semaphore_mem>>)
    %dma_start3A_8 = arith.constant 0 : i32
    %dma_start3A_9 = tpu.memref_slice %arg4[%add3A, %dma_start3A_8] : memref<32x10000xi32, #tpu.memory_space<hbm>> -> memref<1x10000xi32, #tpu.memory_space<hbm>>
    %dma_start3A_10 = tpu.memref_squeeze %dma_start3A_9 : memref<1x10000xi32, #tpu.memory_space<hbm>> -> memref<10000xi32, #tpu.memory_space<hbm>>
    %dma_start3A_11 = arith.constant 0 : i32
    %dma_start3A_12 = tpu.memref_slice %arg4[%add3A, %dma_start3A_11] : memref<32x10000xi32, #tpu.memory_space<hbm>> -> memref<1x10000xi32, #tpu.memory_space<hbm>>
    %dma_start3A_13 = tpu.memref_squeeze %dma_start3A_12 : memref<1x10000xi32, #tpu.memory_space<hbm>> -> memref<10000xi32, #tpu.memory_space<hbm>>
    tpu.enqueue_dma source(%dma_start3A_13 : memref<10000xi32, #tpu.memory_space<hbm>>) target(%arg8 : memref<10000xi32, #tpu.memory_space<vmem>>) target_semaphore(%arg13 : memref<!tpu.dma_semaphore, #tpu.memory_space<semaphore_mem>>)
    %lt3A = arith.constant 15 : i32
    %lt3A_14 = arith.cmpi slt, %arg1, %lt3A : i32
    %convert_element_type3A = arith.extui %lt3A_14 : i1 to i32
    %cond3A = arith.constant 0 : i32
    %cond3A_15 = arith.cmpi ne, %convert_element_type3A, %cond3A : i32
    scf.if %cond3A_15 {
      "tpu.region"() ({
        %run_scoped3A = tpu.sem_alloc : memref<!tpu.dma_semaphore, #tpu.memory_space<semaphore_mem>>
        %dma_start3A_58 = arith.constant 0 : i32
        %dma_start3A_59 = tpu.memref_slice %arg11[%mul3A_2, %dma_start3A_58] : memref<10000x128xf32, #tpu.memory_space<vmem_shared>> -> memref<632x128xf32, #tpu.memory_space<vmem_shared>>
        %dma_start3A_60 = arith.constant 0 : i32
        %dma_start3A_61 = tpu.memref_slice %arg5[%mul3A_2, %dma_start3A_60] : memref<10000x128xf32, #tpu.memory_space<hbm>> -> memref<632x128xf32, #tpu.memory_space<hbm>>
        tpu.enqueue_dma source(%dma_start3A_61 : memref<632x128xf32, #tpu.memory_space<hbm>>) target(%dma_start3A_59 : memref<632x128xf32, #tpu.memory_space<vmem_shared>>) target_semaphore(%run_scoped3A : memref<!tpu.dma_semaphore, #tpu.memory_space<semaphore_mem>>)
        %dma_wait3A_62 = arith.constant 0 : i32
        %dma_wait3A_63 = tpu.memref_slice %arg11[%mul3A_2, %dma_wait3A_62] : memref<10000x128xf32, #tpu.memory_space<vmem_shared>> -> memref<632x128xf32, #tpu.memory_space<vmem_shared>>
        %dma_wait3A_64 = arith.constant 0 : i32
        %dma_wait3A_65 = tpu.memref_slice %arg5[%mul3A_2, %dma_wait3A_64] : memref<10000x128xf32, #tpu.memory_space<hbm>> -> memref<632x128xf32, #tpu.memory_space<hbm>>
        tpu.wait_dma2 semaphore(%run_scoped3A : memref<!tpu.dma_semaphore, #tpu.memory_space<semaphore_mem>>) src(%dma_wait3A_65 : memref<632x128xf32, #tpu.memory_space<hbm>>) dst(%dma_wait3A_63 : memref<632x128xf32, #tpu.memory_space<vmem_shared>>)
        tpu.yield
      }) : () -> ()
    } else {
    }
    %eq3A = arith.constant 15 : i32
    %eq3A_16 = arith.cmpi eq, %arg1, %eq3A : i32
    %convert_element_type3A_17 = arith.extui %eq3A_16 : i1 to i32
    %cond3A_18 = arith.constant 0 : i32
    %cond3A_19 = arith.cmpi ne, %convert_element_type3A_17, %cond3A_18 : i32
    scf.if %cond3A_19 {
      "tpu.region"() ({
        %run_scoped3A = tpu.sem_alloc : memref<!tpu.dma_semaphore, #tpu.memory_space<semaphore_mem>>
        %dma_start3A_58 = arith.constant 9480 : i32
        %dma_start3A_59 = arith.constant 0 : i32
        %dma_start3A_60 = tpu.memref_slice %arg11[%dma_start3A_58, %dma_start3A_59] : memref<10000x128xf32, #tpu.memory_space<vmem_shared>> -> memref<520x128xf32, #tpu.memory_space<vmem_shared>>
        %dma_start3A_61 = arith.constant 9480 : i32
        %dma_start3A_62 = arith.constant 0 : i32
        %dma_start3A_63 = tpu.memref_slice %arg5[%dma_start3A_61, %dma_start3A_62] : memref<10000x128xf32, #tpu.memory_space<hbm>> -> memref<520x128xf32, #tpu.memory_space<hbm>>
        tpu.enqueue_dma source(%dma_start3A_63 : memref<520x128xf32, #tpu.memory_space<hbm>>) target(%dma_start3A_60 : memref<520x128xf32, #tpu.memory_space<vmem_shared>>) target_semaphore(%run_scoped3A : memref<!tpu.dma_semaphore, #tpu.memory_space<semaphore_mem>>)
        %dma_wait3A_64 = arith.constant 9480 : i32
        %dma_wait3A_65 = arith.constant 0 : i32
        %dma_wait3A_66 = tpu.memref_slice %arg11[%dma_wait3A_64, %dma_wait3A_65] : memref<10000x128xf32, #tpu.memory_space<vmem_shared>> -> memref<520x128xf32, #tpu.memory_space<vmem_shared>>
        %dma_wait3A_67 = arith.constant 9480 : i32
        %dma_wait3A_68 = arith.constant 0 : i32
        %dma_wait3A_69 = tpu.memref_slice %arg5[%dma_wait3A_67, %dma_wait3A_68] : memref<10000x128xf32, #tpu.memory_space<hbm>> -> memref<520x128xf32, #tpu.memory_space<hbm>>
        tpu.wait_dma2 semaphore(%run_scoped3A : memref<!tpu.dma_semaphore, #tpu.memory_space<semaphore_mem>>) src(%dma_wait3A_69 : memref<520x128xf32, #tpu.memory_space<hbm>>) dst(%dma_wait3A_66 : memref<520x128xf32, #tpu.memory_space<vmem_shared>>)
        tpu.yield
      }) : () -> ()
    } else {
    }
    %dma_wait3A = arith.constant 0 : i32
    %dma_wait3A_20 = tpu.memref_slice %arg3[%add3A, %dma_wait3A] : memref<32x10000xi32, #tpu.memory_space<hbm>> -> memref<1x10000xi32, #tpu.memory_space<hbm>>
    %dma_wait3A_21 = tpu.memref_squeeze %dma_wait3A_20 : memref<1x10000xi32, #tpu.memory_space<hbm>> -> memref<10000xi32, #tpu.memory_space<hbm>>
    %dma_wait3A_22 = arith.constant 0 : i32
    %dma_wait3A_23 = tpu.memref_slice %arg3[%add3A, %dma_wait3A_22] : memref<32x10000xi32, #tpu.memory_space<hbm>> -> memref<1x10000xi32, #tpu.memory_space<hbm>>
    %dma_wait3A_24 = tpu.memref_squeeze %dma_wait3A_23 : memref<1x10000xi32, #tpu.memory_space<hbm>> -> memref<10000xi32, #tpu.memory_space<hbm>>
    tpu.wait_dma2 semaphore(%arg12 : memref<!tpu.dma_semaphore, #tpu.memory_space<semaphore_mem>>) src(%dma_wait3A_24 : memref<10000xi32, #tpu.memory_space<hbm>>) dst(%arg7 : memref<10000xi32, #tpu.memory_space<vmem>>)
    %dma_wait3A_25 = arith.constant 0 : i32
    %dma_wait3A_26 = tpu.memref_slice %arg4[%add3A, %dma_wait3A_25] : memref<32x10000xi32, #tpu.memory_space<hbm>> -> memref<1x10000xi32, #tpu.memory_space<hbm>>
    %dma_wait3A_27 = tpu.memref_squeeze %dma_wait3A_26 : memref<1x10000xi32, #tpu.memory_space<hbm>> -> memref<10000xi32, #tpu.memory_space<hbm>>
    %dma_wait3A_28 = arith.constant 0 : i32
    %dma_wait3A_29 = tpu.memref_slice %arg4[%add3A, %dma_wait3A_28] : memref<32x10000xi32, #tpu.memory_space<hbm>> -> memref<1x10000xi32, #tpu.memory_space<hbm>>
    %dma_wait3A_30 = tpu.memref_squeeze %dma_wait3A_29 : memref<1x10000xi32, #tpu.memory_space<hbm>> -> memref<10000xi32, #tpu.memory_space<hbm>>
    tpu.wait_dma2 semaphore(%arg13 : memref<!tpu.dma_semaphore, #tpu.memory_space<semaphore_mem>>) src(%dma_wait3A_30 : memref<10000xi32, #tpu.memory_space<hbm>>) dst(%arg8 : memref<10000xi32, #tpu.memory_space<vmem>>)
    %dma_start3A_31 = arith.constant 0 : i32
    %dma_start3A_32 = tpu.memref_slice %arg7[%dma_start3A_31] : memref<10000xi32, #tpu.memory_space<vmem>> -> memref<80xi32, #tpu.memory_space<vmem>>
    %dma_start3A_33 = arith.constant 0 : i32
    %dma_start3A_34 = arith.constant 0 : i32
    %dma_start3A_35 = tpu.memref_slice %arg2[%dma_start3A_33, %dma_start3A_34] : memref<10000x128xf32, #tpu.memory_space<hbm>> -> memref<10000x128xf32, #tpu.memory_space<hbm>>
    tpu.enqueue_indirect_dma source(%dma_start3A_35 : memref<10000x128xf32, #tpu.memory_space<hbm>>) target(%arg9 : memref<80x128xf32, #tpu.memory_space<vmem>>) offsets(%dma_start3A_32 : memref<80xi32, #tpu.memory_space<vmem>>) semaphore(%arg12 : memref<!tpu.dma_semaphore, #tpu.memory_space<semaphore_mem>>)
    %barrier3A = arith.constant 0 : index
    tpu.barrier barrier_id(%barrier3A)
    %scan3A = arith.constant 0 : i32
    %scan3A_36 = arith.constant 0 : i32
    %scan3A_37 = arith.constant 31 : i32
    %scan3A_38 = arith.addi %scan3A_36, %scan3A_37 : i32
    %scan3A_39 = arith.constant 1 : i32
    %scan3A_40 = scf.for %scan3A_58 = %scan3A_36 to %scan3A_38 step %scan3A_39 iter_args(%scan3A_59 = %scan3A) -> (i32)  : i32 {
      %mul3A_60 = arith.constant 4 : i32
      %mul3A_61 = arith.muli %mul3A_60, %scan3A_58 : i32
      %add3A_62 = arith.constant 0 : i32
      %add3A_63 = arith.addi %mul3A_61, %add3A_62 : i32
      %add3A_64 = arith.constant 1 : i32
      %add3A_65 = arith.addi %add3A_63, %add3A_64 : i32
      %mul3A_66 = arith.constant 80 : i32
      %mul3A_67 = arith.muli %add3A_65, %mul3A_66 : i32
      %dma_start3A_68 = tpu.memref_slice %arg7[%mul3A_67] : memref<10000xi32, #tpu.memory_space<vmem>> -> memref<80xi32, #tpu.memory_space<vmem>>
      %dma_start3A_69 = arith.constant 0 : i32
      %dma_start3A_70 = arith.constant 0 : i32
      %dma_start3A_71 = tpu.memref_slice %arg2[%dma_start3A_69, %dma_start3A_70] : memref<10000x128xf32, #tpu.memory_space<hbm>> -> memref<10000x128xf32, #tpu.memory_space<hbm>>
      tpu.enqueue_indirect_dma source(%dma_start3A_71 : memref<10000x128xf32, #tpu.memory_space<hbm>>) target(%arg10 : memref<80x128xf32, #tpu.memory_space<vmem>>) offsets(%dma_start3A_68 : memref<80xi32, #tpu.memory_space<vmem>>) semaphore(%arg13 : memref<!tpu.dma_semaphore, #tpu.memory_space<semaphore_mem>>)
      %mul3A_72 = arith.constant 80 : i32
      %mul3A_73 = arith.muli %add3A_63, %mul3A_72 : i32
      %dma_wait3A_74 = tpu.memref_slice %arg7[%mul3A_73] : memref<10000xi32, #tpu.memory_space<vmem>> -> memref<80xi32, #tpu.memory_space<vmem>>
      %dma_wait3A_75 = arith.constant 0 : i32
      %dma_wait3A_76 = arith.constant 0 : i32
      %dma_wait3A_77 = tpu.memref_slice %arg2[%dma_wait3A_75, %dma_wait3A_76] : memref<10000x128xf32, #tpu.memory_space<hbm>> -> memref<10000x128xf32, #tpu.memory_space<hbm>>
      tpu.wait_indirect_dma semaphore(%arg12 : memref<!tpu.dma_semaphore, #tpu.memory_space<semaphore_mem>>) src(%dma_wait3A_77 : memref<10000x128xf32, #tpu.memory_space<hbm>>) dst(%arg9 : memref<80x128xf32, #tpu.memory_space<vmem>>)
      %mul3A_78 = arith.constant 80 : i32
      %mul3A_79 = arith.muli %add3A_63, %mul3A_78 : i32
      "tpu.region"() ({
        %run_scoped3A = tpu.sem_alloc : memref<!tpu.dma_semaphore, #tpu.memory_space<semaphore_mem>>
        %dma_start3A_139 = tpu.memref_slice %arg8[%mul3A_79] : memref<10000xi32, #tpu.memory_space<vmem>> -> memref<80xi32, #tpu.memory_space<vmem>>
        %dma_start3A_140 = arith.constant 0 : i32
        %dma_start3A_141 = arith.constant 0 : i32
        %dma_start3A_142 = tpu.memref_slice %arg11[%dma_start3A_140, %dma_start3A_141] : memref<10000x128xf32, #tpu.memory_space<vmem_shared>> -> memref<10000x128xf32, #tpu.memory_space<vmem_shared>>
        tpu.enqueue_indirect_dma source(%arg9 : memref<80x128xf32, #tpu.memory_space<vmem>>) target(%dma_start3A_142 : memref<10000x128xf32, #tpu.memory_space<vmem_shared>>) offsets(%dma_start3A_139 : memref<80xi32, #tpu.memory_space<vmem>>) semaphore(%run_scoped3A : memref<!tpu.dma_semaphore, #tpu.memory_space<semaphore_mem>>) {add = true}
        %dma_wait3A_143 = tpu.memref_slice %arg8[%mul3A_79] : memref<10000xi32, #tpu.memory_space<vmem>> -> memref<80xi32, #tpu.memory_space<vmem>>
        %dma_wait3A_144 = arith.constant 0 : i32
        %dma_wait3A_145 = arith.constant 0 : i32
        %dma_wait3A_146 = tpu.memref_slice %arg11[%dma_wait3A_144, %dma_wait3A_145] : memref<10000x128xf32, #tpu.memory_space<vmem_shared>> -> memref<10000x128xf32, #tpu.memory_space<vmem_shared>>
        tpu.wait_indirect_dma semaphore(%run_scoped3A : memref<!tpu.dma_semaphore, #tpu.memory_space<semaphore_mem>>) src(%arg9 : memref<80x128xf32, #tpu.memory_space<vmem>>) dst(%dma_wait3A_146 : memref<10000x128xf32, #tpu.memory_space<vmem_shared>>)
        tpu.yield
      }) : () -> ()
      %add3A_80 = arith.constant 2 : i32
      %add3A_81 = arith.addi %add3A_63, %add3A_80 : i32
      %mul3A_82 = arith.constant 80 : i32
      %mul3A_83 = arith.muli %add3A_81, %mul3A_82 : i32
      %dma_start3A_84 = tpu.memref_slice %arg7[%mul3A_83] : memref<10000xi32, #tpu.memory_space<vmem>> -> memref<80xi32, #tpu.memory_space<vmem>>
      %dma_start3A_85 = arith.constant 0 : i32
      %dma_start3A_86 = arith.constant 0 : i32
      %dma_start3A_87 = tpu.memref_slice %arg2[%dma_start3A_85, %dma_start3A_86] : memref<10000x128xf32, #tpu.memory_space<hbm>> -> memref<10000x128xf32, #tpu.memory_space<hbm>>
      tpu.enqueue_indirect_dma source(%dma_start3A_87 : memref<10000x128xf32, #tpu.memory_space<hbm>>) target(%arg9 : memref<80x128xf32, #tpu.memory_space<vmem>>) offsets(%dma_start3A_84 : memref<80xi32, #tpu.memory_space<vmem>>) semaphore(%arg12 : memref<!tpu.dma_semaphore, #tpu.memory_space<semaphore_mem>>)
      %add3A_88 = arith.constant 1 : i32
      %add3A_89 = arith.addi %add3A_63, %add3A_88 : i32
      %mul3A_90 = arith.constant 80 : i32
      %mul3A_91 = arith.muli %add3A_89, %mul3A_90 : i32
      %dma_wait3A_92 = tpu.memref_slice %arg7[%mul3A_91] : memref<10000xi32, #tpu.memory_space<vmem>> -> memref<80xi32, #tpu.memory_space<vmem>>
      %dma_wait3A_93 = arith.constant 0 : i32
      %dma_wait3A_94 = arith.constant 0 : i32
      %dma_wait3A_95 = tpu.memref_slice %arg2[%dma_wait3A_93, %dma_wait3A_94] : memref<10000x128xf32, #tpu.memory_space<hbm>> -> memref<10000x128xf32, #tpu.memory_space<hbm>>
      tpu.wait_indirect_dma semaphore(%arg13 : memref<!tpu.dma_semaphore, #tpu.memory_space<semaphore_mem>>) src(%dma_wait3A_95 : memref<10000x128xf32, #tpu.memory_space<hbm>>) dst(%arg10 : memref<80x128xf32, #tpu.memory_space<vmem>>)
      %add3A_96 = arith.constant 1 : i32
      %add3A_97 = arith.addi %add3A_63, %add3A_96 : i32
      %mul3A_98 = arith.constant 80 : i32
      %mul3A_99 = arith.muli %add3A_97, %mul3A_98 : i32
      "tpu.region"() ({
        %run_scoped3A = tpu.sem_alloc : memref<!tpu.dma_semaphore, #tpu.memory_space<semaphore_mem>>
        %dma_start3A_139 = tpu.memref_slice %arg8[%mul3A_99] : memref<10000xi32, #tpu.memory_space<vmem>> -> memref<80xi32, #tpu.memory_space<vmem>>
        %dma_start3A_140 = arith.constant 0 : i32
        %dma_start3A_141 = arith.constant 0 : i32
        %dma_start3A_142 = tpu.memref_slice %arg11[%dma_start3A_140, %dma_start3A_141] : memref<10000x128xf32, #tpu.memory_space<vmem_shared>> -> memref<10000x128xf32, #tpu.memory_space<vmem_shared>>
        tpu.enqueue_indirect_dma source(%arg10 : memref<80x128xf32, #tpu.memory_space<vmem>>) target(%dma_start3A_142 : memref<10000x128xf32, #tpu.memory_space<vmem_shared>>) offsets(%dma_start3A_139 : memref<80xi32, #tpu.memory_space<vmem>>) semaphore(%run_scoped3A : memref<!tpu.dma_semaphore, #tpu.memory_space<semaphore_mem>>) {add = true}
        %dma_wait3A_143 = tpu.memref_slice %arg8[%mul3A_99] : memref<10000xi32, #tpu.memory_space<vmem>> -> memref<80xi32, #tpu.memory_space<vmem>>
        %dma_wait3A_144 = arith.constant 0 : i32
        %dma_wait3A_145 = arith.constant 0 : i32
        %dma_wait3A_146 = tpu.memref_slice %arg11[%dma_wait3A_144, %dma_wait3A_145] : memref<10000x128xf32, #tpu.memory_space<vmem_shared>> -> memref<10000x128xf32, #tpu.memory_space<vmem_shared>>
        tpu.wait_indirect_dma semaphore(%run_scoped3A : memref<!tpu.dma_semaphore, #tpu.memory_space<semaphore_mem>>) src(%arg10 : memref<80x128xf32, #tpu.memory_space<vmem>>) dst(%dma_wait3A_146 : memref<10000x128xf32, #tpu.memory_space<vmem_shared>>)
        tpu.yield
      }) : () -> ()
      %add3A_100 = arith.constant 2 : i32
      %add3A_101 = arith.addi %mul3A_61, %add3A_100 : i32
      %add3A_102 = arith.constant 1 : i32
      %add3A_103 = arith.addi %add3A_101, %add3A_102 : i32
      %mul3A_104 = arith.constant 80 : i32
      %mul3A_105 = arith.muli %add3A_103, %mul3A_104 : i32
      %dma_start3A_106 = tpu.memref_slice %arg7[%mul3A_105] : memref<10000xi32, #tpu.memory_space<vmem>> -> memref<80xi32, #tpu.memory_space<vmem>>
      %dma_start3A_107 = arith.constant 0 : i32
      %dma_start3A_108 = arith.constant 0 : i32
      %dma_start3A_109 = tpu.memref_slice %arg2[%dma_start3A_107, %dma_start3A_108] : memref<10000x128xf32, #tpu.memory_space<hbm>> -> memref<10000x128xf32, #tpu.memory_space<hbm>>
      tpu.enqueue_indirect_dma source(%dma_start3A_109 : memref<10000x128xf32, #tpu.memory_space<hbm>>) target(%arg10 : memref<80x128xf32, #tpu.memory_space<vmem>>) offsets(%dma_start3A_106 : memref<80xi32, #tpu.memory_space<vmem>>) semaphore(%arg13 : memref<!tpu.dma_semaphore, #tpu.memory_space<semaphore_mem>>)
      %mul3A_110 = arith.constant 80 : i32
      %mul3A_111 = arith.muli %add3A_101, %mul3A_110 : i32
      %dma_wait3A_112 = tpu.memref_slice %arg7[%mul3A_111] : memref<10000xi32, #tpu.memory_space<vmem>> -> memref<80xi32, #tpu.memory_space<vmem>>
      %dma_wait3A_113 = arith.constant 0 : i32
      %dma_wait3A_114 = arith.constant 0 : i32
      %dma_wait3A_115 = tpu.memref_slice %arg2[%dma_wait3A_113, %dma_wait3A_114] : memref<10000x128xf32, #tpu.memory_space<hbm>> -> memref<10000x128xf32, #tpu.memory_space<hbm>>
      tpu.wait_indirect_dma semaphore(%arg12 : memref<!tpu.dma_semaphore, #tpu.memory_space<semaphore_mem>>) src(%dma_wait3A_115 : memref<10000x128xf32, #tpu.memory_space<hbm>>) dst(%arg9 : memref<80x128xf32, #tpu.memory_space<vmem>>)
      %mul3A_116 = arith.constant 80 : i32
      %mul3A_117 = arith.muli %add3A_101, %mul3A_116 : i32
      "tpu.region"() ({
        %run_scoped3A = tpu.sem_alloc : memref<!tpu.dma_semaphore, #tpu.memory_space<semaphore_mem>>
        %dma_start3A_139 = tpu.memref_slice %arg8[%mul3A_117] : memref<10000xi32, #tpu.memory_space<vmem>> -> memref<80xi32, #tpu.memory_space<vmem>>
        %dma_start3A_140 = arith.constant 0 : i32
        %dma_start3A_141 = arith.constant 0 : i32
        %dma_start3A_142 = tpu.memref_slice %arg11[%dma_start3A_140, %dma_start3A_141] : memref<10000x128xf32, #tpu.memory_space<vmem_shared>> -> memref<10000x128xf32, #tpu.memory_space<vmem_shared>>
        tpu.enqueue_indirect_dma source(%arg9 : memref<80x128xf32, #tpu.memory_space<vmem>>) target(%dma_start3A_142 : memref<10000x128xf32, #tpu.memory_space<vmem_shared>>) offsets(%dma_start3A_139 : memref<80xi32, #tpu.memory_space<vmem>>) semaphore(%run_scoped3A : memref<!tpu.dma_semaphore, #tpu.memory_space<semaphore_mem>>) {add = true}
        %dma_wait3A_143 = tpu.memref_slice %arg8[%mul3A_117] : memref<10000xi32, #tpu.memory_space<vmem>> -> memref<80xi32, #tpu.memory_space<vmem>>
        %dma_wait3A_144 = arith.constant 0 : i32
        %dma_wait3A_145 = arith.constant 0 : i32
        %dma_wait3A_146 = tpu.memref_slice %arg11[%dma_wait3A_144, %dma_wait3A_145] : memref<10000x128xf32, #tpu.memory_space<vmem_shared>> -> memref<10000x128xf32, #tpu.memory_space<vmem_shared>>
        tpu.wait_indirect_dma semaphore(%run_scoped3A : memref<!tpu.dma_semaphore, #tpu.memory_space<semaphore_mem>>) src(%arg9 : memref<80x128xf32, #tpu.memory_space<vmem>>) dst(%dma_wait3A_146 : memref<10000x128xf32, #tpu.memory_space<vmem_shared>>)
        tpu.yield
      }) : () -> ()
      %add3A_118 = arith.constant 2 : i32
      %add3A_119 = arith.addi %add3A_101, %add3A_118 : i32
      %mul3A_120 = arith.constant 80 : i32
      %mul3A_121 = arith.muli %add3A_119, %mul3A_120 : i32
      %dma_start3A_122 = tpu.memref_slice %arg7[%mul3A_121] : memref<10000xi32, #tpu.memory_space<vmem>> -> memref<80xi32, #tpu.memory_space<vmem>>
      %dma_start3A_123 = arith.constant 0 : i32
      %dma_start3A_124 = arith.constant 0 : i32
      %dma_start3A_125 = tpu.memref_slice %arg2[%dma_start3A_123, %dma_start3A_124] : memref<10000x128xf32, #tpu.memory_space<hbm>> -> memref<10000x128xf32, #tpu.memory_space<hbm>>
      tpu.enqueue_indirect_dma source(%dma_start3A_125 : memref<10000x128xf32, #tpu.memory_space<hbm>>) target(%arg9 : memref<80x128xf32, #tpu.memory_space<vmem>>) offsets(%dma_start3A_122 : memref<80xi32, #tpu.memory_space<vmem>>) semaphore(%arg12 : memref<!tpu.dma_semaphore, #tpu.memory_space<semaphore_mem>>)
      %add3A_126 = arith.constant 1 : i32
      %add3A_127 = arith.addi %add3A_101, %add3A_126 : i32
      %mul3A_128 = arith.constant 80 : i32
      %mul3A_129 = arith.muli %add3A_127, %mul3A_128 : i32
      %dma_wait3A_130 = tpu.memref_slice %arg7[%mul3A_129] : memref<10000xi32, #tpu.memory_space<vmem>> -> memref<80xi32, #tpu.memory_space<vmem>>
      %dma_wait3A_131 = arith.constant 0 : i32
      %dma_wait3A_132 = arith.constant 0 : i32
      %dma_wait3A_133 = tpu.memref_slice %arg2[%dma_wait3A_131, %dma_wait3A_132] : memref<10000x128xf32, #tpu.memory_space<hbm>> -> memref<10000x128xf32, #tpu.memory_space<hbm>>
      tpu.wait_indirect_dma semaphore(%arg13 : memref<!tpu.dma_semaphore, #tpu.memory_space<semaphore_mem>>) src(%dma_wait3A_133 : memref<10000x128xf32, #tpu.memory_space<hbm>>) dst(%arg10 : memref<80x128xf32, #tpu.memory_space<vmem>>)
      %add3A_134 = arith.constant 1 : i32
      %add3A_135 = arith.addi %add3A_101, %add3A_134 : i32
      %mul3A_136 = arith.constant 80 : i32
      %mul3A_137 = arith.muli %add3A_135, %mul3A_136 : i32
      "tpu.region"() ({
        %run_scoped3A = tpu.sem_alloc : memref<!tpu.dma_semaphore, #tpu.memory_space<semaphore_mem>>
        %dma_start3A_139 = tpu.memref_slice %arg8[%mul3A_137] : memref<10000xi32, #tpu.memory_space<vmem>> -> memref<80xi32, #tpu.memory_space<vmem>>
        %dma_start3A_140 = arith.constant 0 : i32
        %dma_start3A_141 = arith.constant 0 : i32
        %dma_start3A_142 = tpu.memref_slice %arg11[%dma_start3A_140, %dma_start3A_141] : memref<10000x128xf32, #tpu.memory_space<vmem_shared>> -> memref<10000x128xf32, #tpu.memory_space<vmem_shared>>
        tpu.enqueue_indirect_dma source(%arg10 : memref<80x128xf32, #tpu.memory_space<vmem>>) target(%dma_start3A_142 : memref<10000x128xf32, #tpu.memory_space<vmem_shared>>) offsets(%dma_start3A_139 : memref<80xi32, #tpu.memory_space<vmem>>) semaphore(%run_scoped3A : memref<!tpu.dma_semaphore, #tpu.memory_space<semaphore_mem>>) {add = true}
        %dma_wait3A_143 = tpu.memref_slice %arg8[%mul3A_137] : memref<10000xi32, #tpu.memory_space<vmem>> -> memref<80xi32, #tpu.memory_space<vmem>>
        %dma_wait3A_144 = arith.constant 0 : i32
        %dma_wait3A_145 = arith.constant 0 : i32
        %dma_wait3A_146 = tpu.memref_slice %arg11[%dma_wait3A_144, %dma_wait3A_145] : memref<10000x128xf32, #tpu.memory_space<vmem_shared>> -> memref<10000x128xf32, #tpu.memory_space<vmem_shared>>
        tpu.wait_indirect_dma semaphore(%run_scoped3A : memref<!tpu.dma_semaphore, #tpu.memory_space<semaphore_mem>>) src(%arg10 : memref<80x128xf32, #tpu.memory_space<vmem>>) dst(%dma_wait3A_146 : memref<10000x128xf32, #tpu.memory_space<vmem_shared>>)
        tpu.yield
      }) : () -> ()
      %scan3A_138 = arith.constant 0 : i32
      scf.yield %scan3A_138 : i32
    }
    %scan3A_41 = arith.constant 31 : i32
    %dma_wait3A_42 = arith.constant 9920 : i32
    %dma_wait3A_43 = tpu.memref_slice %arg7[%dma_wait3A_42] : memref<10000xi32, #tpu.memory_space<vmem>> -> memref<80xi32, #tpu.memory_space<vmem>>
    %dma_wait3A_44 = arith.constant 0 : i32
    %dma_wait3A_45 = arith.constant 0 : i32
    %dma_wait3A_46 = tpu.memref_slice %arg2[%dma_wait3A_44, %dma_wait3A_45] : memref<10000x128xf32, #tpu.memory_space<hbm>> -> memref<10000x128xf32, #tpu.memory_space<hbm>>
    tpu.wait_indirect_dma semaphore(%arg12 : memref<!tpu.dma_semaphore, #tpu.memory_space<semaphore_mem>>) src(%dma_wait3A_46 : memref<10000x128xf32, #tpu.memory_space<hbm>>) dst(%arg9 : memref<80x128xf32, #tpu.memory_space<vmem>>)
    "tpu.region"() ({
      %run_scoped3A = tpu.sem_alloc : memref<!tpu.dma_semaphore, #tpu.memory_space<semaphore_mem>>
      %dma_start3A_58 = arith.constant 9920 : i32
      %dma_start3A_59 = tpu.memref_slice %arg8[%dma_start3A_58] : memref<10000xi32, #tpu.memory_space<vmem>> -> memref<80xi32, #tpu.memory_space<vmem>>
      %dma_start3A_60 = arith.constant 0 : i32
      %dma_start3A_61 = arith.constant 0 : i32
      %dma_start3A_62 = tpu.memref_slice %arg11[%dma_start3A_60, %dma_start3A_61] : memref<10000x128xf32, #tpu.memory_space<vmem_shared>> -> memref<10000x128xf32, #tpu.memory_space<vmem_shared>>
      tpu.enqueue_indirect_dma source(%arg9 : memref<80x128xf32, #tpu.memory_space<vmem>>) target(%dma_start3A_62 : memref<10000x128xf32, #tpu.memory_space<vmem_shared>>) offsets(%dma_start3A_59 : memref<80xi32, #tpu.memory_space<vmem>>) semaphore(%run_scoped3A : memref<!tpu.dma_semaphore, #tpu.memory_space<semaphore_mem>>) {add = true}
      %dma_wait3A_63 = arith.constant 9920 : i32
      %dma_wait3A_64 = tpu.memref_slice %arg8[%dma_wait3A_63] : memref<10000xi32, #tpu.memory_space<vmem>> -> memref<80xi32, #tpu.memory_space<vmem>>
      %dma_wait3A_65 = arith.constant 0 : i32
      %dma_wait3A_66 = arith.constant 0 : i32
      %dma_wait3A_67 = tpu.memref_slice %arg11[%dma_wait3A_65, %dma_wait3A_66] : memref<10000x128xf32, #tpu.memory_space<vmem_shared>> -> memref<10000x128xf32, #tpu.memory_space<vmem_shared>>
      tpu.wait_indirect_dma semaphore(%run_scoped3A : memref<!tpu.dma_semaphore, #tpu.memory_space<semaphore_mem>>) src(%arg9 : memref<80x128xf32, #tpu.memory_space<vmem>>) dst(%dma_wait3A_67 : memref<10000x128xf32, #tpu.memory_space<vmem_shared>>)
      tpu.yield
    }) : () -> ()
    %barrier3A_47 = arith.constant 0 : index
    tpu.barrier barrier_id(%barrier3A_47)
    %lt3A_48 = arith.constant 15 : i32
    %lt3A_49 = arith.cmpi slt, %arg1, %lt3A_48 : i32
    %convert_element_type3A_50 = arith.extui %lt3A_49 : i1 to i32
    %cond3A_51 = arith.constant 0 : i32
    %cond3A_52 = arith.cmpi ne, %convert_element_type3A_50, %cond3A_51 : i32
    scf.if %cond3A_52 {
      "tpu.region"() ({
        %run_scoped3A = tpu.sem_alloc : memref<!tpu.dma_semaphore, #tpu.memory_space<semaphore_mem>>
        %dma_start3A_58 = arith.constant 0 : i32
        %dma_start3A_59 = arith.constant 0 : i32
        %dma_start3A_60 = tpu.memref_slice %arg6[%arg0, %dma_start3A_58, %dma_start3A_59] : memref<2x10000x128xf32, #tpu.memory_space<hbm>> -> memref<1x10000x128xf32, #tpu.memory_space<hbm>>
        %dma_start3A_61 = tpu.memref_squeeze %dma_start3A_60 : memref<1x10000x128xf32, #tpu.memory_space<hbm>> -> memref<10000x128xf32, #tpu.memory_space<hbm>>
        %dma_start3A_62 = arith.constant 0 : i32
        %dma_start3A_63 = tpu.memref_slice %dma_start3A_61[%mul3A_2, %dma_start3A_62] : memref<10000x128xf32, #tpu.memory_space<hbm>> -> memref<632x128xf32, #tpu.memory_space<hbm>>
        %dma_start3A_64 = arith.constant 0 : i32
        %dma_start3A_65 = tpu.memref_slice %arg11[%mul3A_2, %dma_start3A_64] : memref<10000x128xf32, #tpu.memory_space<vmem_shared>> -> memref<632x128xf32, #tpu.memory_space<vmem_shared>>
        tpu.enqueue_dma source(%dma_start3A_65 : memref<632x128xf32, #tpu.memory_space<vmem_shared>>) target(%dma_start3A_63 : memref<632x128xf32, #tpu.memory_space<hbm>>) target_semaphore(%run_scoped3A : memref<!tpu.dma_semaphore, #tpu.memory_space<semaphore_mem>>)
        %dma_wait3A_66 = arith.constant 0 : i32
        %dma_wait3A_67 = arith.constant 0 : i32
        %dma_wait3A_68 = tpu.memref_slice %arg6[%arg0, %dma_wait3A_66, %dma_wait3A_67] : memref<2x10000x128xf32, #tpu.memory_space<hbm>> -> memref<1x10000x128xf32, #tpu.memory_space<hbm>>
        %dma_wait3A_69 = tpu.memref_squeeze %dma_wait3A_68 : memref<1x10000x128xf32, #tpu.memory_space<hbm>> -> memref<10000x128xf32, #tpu.memory_space<hbm>>
        %dma_wait3A_70 = arith.constant 0 : i32
        %dma_wait3A_71 = tpu.memref_slice %dma_wait3A_69[%mul3A_2, %dma_wait3A_70] : memref<10000x128xf32, #tpu.memory_space<hbm>> -> memref<632x128xf32, #tpu.memory_space<hbm>>
        %dma_wait3A_72 = arith.constant 0 : i32
        %dma_wait3A_73 = tpu.memref_slice %arg11[%mul3A_2, %dma_wait3A_72] : memref<10000x128xf32, #tpu.memory_space<vmem_shared>> -> memref<632x128xf32, #tpu.memory_space<vmem_shared>>
        tpu.wait_dma2 semaphore(%run_scoped3A : memref<!tpu.dma_semaphore, #tpu.memory_space<semaphore_mem>>) src(%dma_wait3A_73 : memref<632x128xf32, #tpu.memory_space<vmem_shared>>) dst(%dma_wait3A_71 : memref<632x128xf32, #tpu.memory_space<hbm>>)
        tpu.yield
      }) : () -> ()
    } else {
    }
    %eq3A_53 = arith.constant 15 : i32
    %eq3A_54 = arith.cmpi eq, %arg1, %eq3A_53 : i32
    %convert_element_type3A_55 = arith.extui %eq3A_54 : i1 to i32
    %cond3A_56 = arith.constant 0 : i32
    %cond3A_57 = arith.cmpi ne, %convert_element_type3A_55, %cond3A_56 : i32
    scf.if %cond3A_57 {
      "tpu.region"() ({
        %run_scoped3A = tpu.sem_alloc : memref<!tpu.dma_semaphore, #tpu.memory_space<semaphore_mem>>
        %dma_start3A_58 = arith.constant 0 : i32
        %dma_start3A_59 = arith.constant 0 : i32
        %dma_start3A_60 = tpu.memref_slice %arg6[%arg0, %dma_start3A_58, %dma_start3A_59] : memref<2x10000x128xf32, #tpu.memory_space<hbm>> -> memref<1x10000x128xf32, #tpu.memory_space<hbm>>
        %dma_start3A_61 = tpu.memref_squeeze %dma_start3A_60 : memref<1x10000x128xf32, #tpu.memory_space<hbm>> -> memref<10000x128xf32, #tpu.memory_space<hbm>>
        %dma_start3A_62 = arith.constant 9480 : i32
        %dma_start3A_63 = arith.constant 0 : i32
        %dma_start3A_64 = tpu.memref_slice %dma_start3A_61[%dma_start3A_62, %dma_start3A_63] : memref<10000x128xf32, #tpu.memory_space<hbm>> -> memref<520x128xf32, #tpu.memory_space<hbm>>
        %dma_start3A_65 = arith.constant 9480 : i32
        %dma_start3A_66 = arith.constant 0 : i32
        %dma_start3A_67 = tpu.memref_slice %arg11[%dma_start3A_65, %dma_start3A_66] : memref<10000x128xf32, #tpu.memory_space<vmem_shared>> -> memref<520x128xf32, #tpu.memory_space<vmem_shared>>
        tpu.enqueue_dma source(%dma_start3A_67 : memref<520x128xf32, #tpu.memory_space<vmem_shared>>) target(%dma_start3A_64 : memref<520x128xf32, #tpu.memory_space<hbm>>) target_semaphore(%run_scoped3A : memref<!tpu.dma_semaphore, #tpu.memory_space<semaphore_mem>>)
        %dma_wait3A_68 = arith.constant 0 : i32
        %dma_wait3A_69 = arith.constant 0 : i32
        %dma_wait3A_70 = tpu.memref_slice %arg6[%arg0, %dma_wait3A_68, %dma_wait3A_69] : memref<2x10000x128xf32, #tpu.memory_space<hbm>> -> memref<1x10000x128xf32, #tpu.memory_space<hbm>>
        %dma_wait3A_71 = tpu.memref_squeeze %dma_wait3A_70 : memref<1x10000x128xf32, #tpu.memory_space<hbm>> -> memref<10000x128xf32, #tpu.memory_space<hbm>>
        %dma_wait3A_72 = arith.constant 9480 : i32
        %dma_wait3A_73 = arith.constant 0 : i32
        %dma_wait3A_74 = tpu.memref_slice %dma_wait3A_71[%dma_wait3A_72, %dma_wait3A_73] : memref<10000x128xf32, #tpu.memory_space<hbm>> -> memref<520x128xf32, #tpu.memory_space<hbm>>
        %dma_wait3A_75 = arith.constant 9480 : i32
        %dma_wait3A_76 = arith.constant 0 : i32
        %dma_wait3A_77 = tpu.memref_slice %arg11[%dma_wait3A_75, %dma_wait3A_76] : memref<10000x128xf32, #tpu.memory_space<vmem_shared>> -> memref<520x128xf32, #tpu.memory_space<vmem_shared>>
        tpu.wait_dma2 semaphore(%run_scoped3A : memref<!tpu.dma_semaphore, #tpu.memory_space<semaphore_mem>>) src(%dma_wait3A_77 : memref<520x128xf32, #tpu.memory_space<vmem_shared>>) dst(%dma_wait3A_74 : memref<520x128xf32, #tpu.memory_space<hbm>>)
        tpu.yield
      }) : () -> ()
    } else {
    }
    return
  }
}

#map = affine_map<(d0, d1) -> (0, 0)>
#map1 = affine_map<(d0, d1) -> (0, 0, 0)>
module attributes {stable_mosaic.version = 14 : i64} {
  func.func @sc_scatter(%arg0: i32, %arg1: i32, %arg2: memref<10000x128xf32, #tpu.memory_space<hbm>>, %arg3: memref<32x10000xi32, #tpu.memory_space<hbm>>, %arg4: memref<32x10000xi32, #tpu.memory_space<hbm>>, %arg5: memref<10000x128xf32, #tpu.memory_space<hbm>>, %arg6: memref<2x10000x128xf32, #tpu.memory_space<hbm>>, %arg7: memref<10000xi32, #tpu.memory_space<vmem>>, %arg8: memref<10000xi32, #tpu.memory_space<vmem>>, %arg9: memref<80x128xf32, #tpu.memory_space<vmem>>, %arg10: memref<80x128xf32, #tpu.memory_space<vmem>>, %arg11: memref<10000x128xf32, #tpu.memory_space<vmem_shared>>, %arg12: memref<!tpu.dma_semaphore, #tpu.memory_space<semaphore_mem>>, %arg13: memref<!tpu.dma_semaphore, #tpu.memory_space<semaphore_mem>>) attributes {dimension_semantics = [#tpu.dimension_semantics<core_parallel>, #tpu.dimension_semantics<subcore_parallel>], iteration_bounds = array<i64: 2, 16>, scalar_prefetch = 0 : i64, scratch_operands = 7 : i64, tpu.core_type = #tpu.core_type<sc_vector_subcore>, window_params = [{transform_indices = #map}, {transform_indices = #map}, {transform_indices = #map}, {transform_indices = #map}, {transform_indices = #map1}]} {
    %mul3A = arith.constant 16 : i32
    %mul3A_0 = arith.muli %arg0, %mul3A : i32
    %add3A = arith.addi %mul3A_0, %arg1 : i32
    %mul3A_1 = arith.constant 632 : i32
    %mul3A_2 = arith.muli %arg1, %mul3A_1 : i32
    %dma_start3A = arith.constant 0 : i32
    %dma_start3A_3 = tpu.memref_slice %arg3[%add3A, %dma_start3A] : memref<32x10000xi32, #tpu.memory_space<hbm>> -> memref<1x10000xi32, #tpu.memory_space<hbm>>
    %dma_start3A_4 = tpu.memref_squeeze %dma_start3A_3 : memref<1x10000xi32, #tpu.memory_space<hbm>> -> memref<10000xi32, #tpu.memory_space<hbm>>
    %dma_start3A_5 = arith.constant 0 : i32
    %dma_start3A_6 = tpu.memref_slice %arg3[%add3A, %dma_start3A_5] : memref<32x10000xi32, #tpu.memory_space<hbm>> -> memref<1x10000xi32, #tpu.memory_space<hbm>>
    %dma_start3A_7 = tpu.memref_squeeze %dma_start3A_6 : memref<1x10000xi32, #tpu.memory_space<hbm>> -> memref<10000xi32, #tpu.memory_space<hbm>>
    tpu.enqueue_dma source(%dma_start3A_7 : memref<10000xi32, #tpu.memory_space<hbm>>) target(%arg7 : memref<10000xi32, #tpu.memory_space<vmem>>) target_semaphore(%arg12 : memref<!tpu.dma_semaphore, #tpu.memory_space<semaphore_mem>>)
    %dma_start3A_8 = arith.constant 0 : i32
    %dma_start3A_9 = tpu.memref_slice %arg4[%add3A, %dma_start3A_8] : memref<32x10000xi32, #tpu.memory_space<hbm>> -> memref<1x10000xi32, #tpu.memory_space<hbm>>
    %dma_start3A_10 = tpu.memref_squeeze %dma_start3A_9 : memref<1x10000xi32, #tpu.memory_space<hbm>> -> memref<10000xi32, #tpu.memory_space<hbm>>
    %dma_start3A_11 = arith.constant 0 : i32
    %dma_start3A_12 = tpu.memref_slice %arg4[%add3A, %dma_start3A_11] : memref<32x10000xi32, #tpu.memory_space<hbm>> -> memref<1x10000xi32, #tpu.memory_space<hbm>>
    %dma_start3A_13 = tpu.memref_squeeze %dma_start3A_12 : memref<1x10000xi32, #tpu.memory_space<hbm>> -> memref<10000xi32, #tpu.memory_space<hbm>>
    tpu.enqueue_dma source(%dma_start3A_13 : memref<10000xi32, #tpu.memory_space<hbm>>) target(%arg8 : memref<10000xi32, #tpu.memory_space<vmem>>) target_semaphore(%arg13 : memref<!tpu.dma_semaphore, #tpu.memory_space<semaphore_mem>>)
    %lt3A = arith.constant 15 : i32
    %lt3A_14 = arith.cmpi slt, %arg1, %lt3A : i32
    %convert_element_type3A = arith.extui %lt3A_14 : i1 to i32
    %cond3A = arith.constant 0 : i32
    %cond3A_15 = arith.cmpi ne, %convert_element_type3A, %cond3A : i32
    scf.if %cond3A_15 {
      "tpu.region"() ({
        %run_scoped3A = tpu.sem_alloc : memref<!tpu.dma_semaphore, #tpu.memory_space<semaphore_mem>>
        %dma_start3A_58 = arith.constant 0 : i32
        %dma_start3A_59 = tpu.memref_slice %arg11[%mul3A_2, %dma_start3A_58] : memref<10000x128xf32, #tpu.memory_space<vmem_shared>> -> memref<632x128xf32, #tpu.memory_space<vmem_shared>>
        %dma_start3A_60 = arith.constant 0 : i32
        %dma_start3A_61 = tpu.memref_slice %arg5[%mul3A_2, %dma_start3A_60] : memref<10000x128xf32, #tpu.memory_space<hbm>> -> memref<632x128xf32, #tpu.memory_space<hbm>>
        tpu.enqueue_dma source(%dma_start3A_61 : memref<632x128xf32, #tpu.memory_space<hbm>>) target(%dma_start3A_59 : memref<632x128xf32, #tpu.memory_space<vmem_shared>>) target_semaphore(%run_scoped3A : memref<!tpu.dma_semaphore, #tpu.memory_space<semaphore_mem>>)
        %dma_wait3A_62 = arith.constant 0 : i32
        %dma_wait3A_63 = tpu.memref_slice %arg11[%mul3A_2, %dma_wait3A_62] : memref<10000x128xf32, #tpu.memory_space<vmem_shared>> -> memref<632x128xf32, #tpu.memory_space<vmem_shared>>
        %dma_wait3A_64 = arith.constant 0 : i32
        %dma_wait3A_65 = tpu.memref_slice %arg5[%mul3A_2, %dma_wait3A_64] : memref<10000x128xf32, #tpu.memory_space<hbm>> -> memref<632x128xf32, #tpu.memory_space<hbm>>
        tpu.wait_dma2 semaphore(%run_scoped3A : memref<!tpu.dma_semaphore, #tpu.memory_space<semaphore_mem>>) src(%dma_wait3A_65 : memref<632x128xf32, #tpu.memory_space<hbm>>) dst(%dma_wait3A_63 : memref<632x128xf32, #tpu.memory_space<vmem_shared>>)
        tpu.yield
      }) : () -> ()
    } else {
    }
    %eq3A = arith.constant 15 : i32
    %eq3A_16 = arith.cmpi eq, %arg1, %eq3A : i32
    %convert_element_type3A_17 = arith.extui %eq3A_16 : i1 to i32
    %cond3A_18 = arith.constant 0 : i32
    %cond3A_19 = arith.cmpi ne, %convert_element_type3A_17, %cond3A_18 : i32
    scf.if %cond3A_19 {
      "tpu.region"() ({
        %run_scoped3A = tpu.sem_alloc : memref<!tpu.dma_semaphore, #tpu.memory_space<semaphore_mem>>
        %dma_start3A_58 = arith.constant 9480 : i32
        %dma_start3A_59 = arith.constant 0 : i32
        %dma_start3A_60 = tpu.memref_slice %arg11[%dma_start3A_58, %dma_start3A_59] : memref<10000x128xf32, #tpu.memory_space<vmem_shared>> -> memref<520x128xf32, #tpu.memory_space<vmem_shared>>
        %dma_start3A_61 = arith.constant 9480 : i32
        %dma_start3A_62 = arith.constant 0 : i32
        %dma_start3A_63 = tpu.memref_slice %arg5[%dma_start3A_61, %dma_start3A_62] : memref<10000x128xf32, #tpu.memory_space<hbm>> -> memref<520x128xf32, #tpu.memory_space<hbm>>
        tpu.enqueue_dma source(%dma_start3A_63 : memref<520x128xf32, #tpu.memory_space<hbm>>) target(%dma_start3A_60 : memref<520x128xf32, #tpu.memory_space<vmem_shared>>) target_semaphore(%run_scoped3A : memref<!tpu.dma_semaphore, #tpu.memory_space<semaphore_mem>>)
        %dma_wait3A_64 = arith.constant 9480 : i32
        %dma_wait3A_65 = arith.constant 0 : i32
        %dma_wait3A_66 = tpu.memref_slice %arg11[%dma_wait3A_64, %dma_wait3A_65] : memref<10000x128xf32, #tpu.memory_space<vmem_shared>> -> memref<520x128xf32, #tpu.memory_space<vmem_shared>>
        %dma_wait3A_67 = arith.constant 9480 : i32
        %dma_wait3A_68 = arith.constant 0 : i32
        %dma_wait3A_69 = tpu.memref_slice %arg5[%dma_wait3A_67, %dma_wait3A_68] : memref<10000x128xf32, #tpu.memory_space<hbm>> -> memref<520x128xf32, #tpu.memory_space<hbm>>
        tpu.wait_dma2 semaphore(%run_scoped3A : memref<!tpu.dma_semaphore, #tpu.memory_space<semaphore_mem>>) src(%dma_wait3A_69 : memref<520x128xf32, #tpu.memory_space<hbm>>) dst(%dma_wait3A_66 : memref<520x128xf32, #tpu.memory_space<vmem_shared>>)
        tpu.yield
      }) : () -> ()
    } else {
    }
    %dma_wait3A = arith.constant 0 : i32
    %dma_wait3A_20 = tpu.memref_slice %arg3[%add3A, %dma_wait3A] : memref<32x10000xi32, #tpu.memory_space<hbm>> -> memref<1x10000xi32, #tpu.memory_space<hbm>>
    %dma_wait3A_21 = tpu.memref_squeeze %dma_wait3A_20 : memref<1x10000xi32, #tpu.memory_space<hbm>> -> memref<10000xi32, #tpu.memory_space<hbm>>
    %dma_wait3A_22 = arith.constant 0 : i32
    %dma_wait3A_23 = tpu.memref_slice %arg3[%add3A, %dma_wait3A_22] : memref<32x10000xi32, #tpu.memory_space<hbm>> -> memref<1x10000xi32, #tpu.memory_space<hbm>>
    %dma_wait3A_24 = tpu.memref_squeeze %dma_wait3A_23 : memref<1x10000xi32, #tpu.memory_space<hbm>> -> memref<10000xi32, #tpu.memory_space<hbm>>
    tpu.wait_dma2 semaphore(%arg12 : memref<!tpu.dma_semaphore, #tpu.memory_space<semaphore_mem>>) src(%dma_wait3A_24 : memref<10000xi32, #tpu.memory_space<hbm>>) dst(%arg7 : memref<10000xi32, #tpu.memory_space<vmem>>)
    %dma_wait3A_25 = arith.constant 0 : i32
    %dma_wait3A_26 = tpu.memref_slice %arg4[%add3A, %dma_wait3A_25] : memref<32x10000xi32, #tpu.memory_space<hbm>> -> memref<1x10000xi32, #tpu.memory_space<hbm>>
    %dma_wait3A_27 = tpu.memref_squeeze %dma_wait3A_26 : memref<1x10000xi32, #tpu.memory_space<hbm>> -> memref<10000xi32, #tpu.memory_space<hbm>>
    %dma_wait3A_28 = arith.constant 0 : i32
    %dma_wait3A_29 = tpu.memref_slice %arg4[%add3A, %dma_wait3A_28] : memref<32x10000xi32, #tpu.memory_space<hbm>> -> memref<1x10000xi32, #tpu.memory_space<hbm>>
    %dma_wait3A_30 = tpu.memref_squeeze %dma_wait3A_29 : memref<1x10000xi32, #tpu.memory_space<hbm>> -> memref<10000xi32, #tpu.memory_space<hbm>>
    tpu.wait_dma2 semaphore(%arg13 : memref<!tpu.dma_semaphore, #tpu.memory_space<semaphore_mem>>) src(%dma_wait3A_30 : memref<10000xi32, #tpu.memory_space<hbm>>) dst(%arg8 : memref<10000xi32, #tpu.memory_space<vmem>>)
    %dma_start3A_31 = arith.constant 0 : i32
    %dma_start3A_32 = tpu.memref_slice %arg7[%dma_start3A_31] : memref<10000xi32, #tpu.memory_space<vmem>> -> memref<80xi32, #tpu.memory_space<vmem>>
    %dma_start3A_33 = arith.constant 0 : i32
    %dma_start3A_34 = arith.constant 0 : i32
    %dma_start3A_35 = tpu.memref_slice %arg2[%dma_start3A_33, %dma_start3A_34] : memref<10000x128xf32, #tpu.memory_space<hbm>> -> memref<10000x128xf32, #tpu.memory_space<hbm>>
    tpu.enqueue_indirect_dma source(%dma_start3A_35 : memref<10000x128xf32, #tpu.memory_space<hbm>>) target(%arg9 : memref<80x128xf32, #tpu.memory_space<vmem>>) offsets(%dma_start3A_32 : memref<80xi32, #tpu.memory_space<vmem>>) semaphore(%arg12 : memref<!tpu.dma_semaphore, #tpu.memory_space<semaphore_mem>>)
    %barrier3A = arith.constant 0 : index
    tpu.barrier barrier_id(%barrier3A)
    %scan3A = arith.constant 0 : i32
    %scan3A_36 = arith.constant 0 : i32
    %scan3A_37 = arith.constant 31 : i32
    %scan3A_38 = arith.addi %scan3A_36, %scan3A_37 : i32
    %scan3A_39 = arith.constant 1 : i32
    %scan3A_40 = scf.for %scan3A_58 = %scan3A_36 to %scan3A_38 step %scan3A_39 iter_args(%scan3A_59 = %scan3A) -> (i32)  : i32 {
      %mul3A_60 = arith.constant 4 : i32
      %mul3A_61 = arith.muli %mul3A_60, %scan3A_58 : i32
      %add3A_62 = arith.constant 0 : i32
      %add3A_63 = arith.addi %mul3A_61, %add3A_62 : i32
      %add3A_64 = arith.constant 1 : i32
      %add3A_65 = arith.addi %add3A_63, %add3A_64 : i32
      %mul3A_66 = arith.constant 80 : i32
      %mul3A_67 = arith.muli %add3A_65, %mul3A_66 : i32
      %dma_start3A_68 = tpu.memref_slice %arg7[%mul3A_67] : memref<10000xi32, #tpu.memory_space<vmem>> -> memref<80xi32, #tpu.memory_space<vmem>>
      %dma_start3A_69 = arith.constant 0 : i32
      %dma_start3A_70 = arith.constant 0 : i32
      %dma_start3A_71 = tpu.memref_slice %arg2[%dma_start3A_69, %dma_start3A_70] : memref<10000x128xf32, #tpu.memory_space<hbm>> -> memref<10000x128xf32, #tpu.memory_space<hbm>>
      tpu.enqueue_indirect_dma source(%dma_start3A_71 : memref<10000x128xf32, #tpu.memory_space<hbm>>) target(%arg10 : memref<80x128xf32, #tpu.memory_space<vmem>>) offsets(%dma_start3A_68 : memref<80xi32, #tpu.memory_space<vmem>>) semaphore(%arg13 : memref<!tpu.dma_semaphore, #tpu.memory_space<semaphore_mem>>)
      %mul3A_72 = arith.constant 80 : i32
      %mul3A_73 = arith.muli %add3A_63, %mul3A_72 : i32
      %dma_wait3A_74 = tpu.memref_slice %arg7[%mul3A_73] : memref<10000xi32, #tpu.memory_space<vmem>> -> memref<80xi32, #tpu.memory_space<vmem>>
      %dma_wait3A_75 = arith.constant 0 : i32
      %dma_wait3A_76 = arith.constant 0 : i32
      %dma_wait3A_77 = tpu.memref_slice %arg2[%dma_wait3A_75, %dma_wait3A_76] : memref<10000x128xf32, #tpu.memory_space<hbm>> -> memref<10000x128xf32, #tpu.memory_space<hbm>>
      tpu.wait_indirect_dma semaphore(%arg12 : memref<!tpu.dma_semaphore, #tpu.memory_space<semaphore_mem>>) src(%dma_wait3A_77 : memref<10000x128xf32, #tpu.memory_space<hbm>>) dst(%arg9 : memref<80x128xf32, #tpu.memory_space<vmem>>)
      %mul3A_78 = arith.constant 80 : i32
      %mul3A_79 = arith.muli %add3A_63, %mul3A_78 : i32
      "tpu.region"() ({
        %run_scoped3A = tpu.sem_alloc : memref<!tpu.dma_semaphore, #tpu.memory_space<semaphore_mem>>
        %dma_start3A_139 = tpu.memref_slice %arg8[%mul3A_79] : memref<10000xi32, #tpu.memory_space<vmem>> -> memref<80xi32, #tpu.memory_space<vmem>>
        %dma_start3A_140 = arith.constant 0 : i32
        %dma_start3A_141 = arith.constant 0 : i32
        %dma_start3A_142 = tpu.memref_slice %arg11[%dma_start3A_140, %dma_start3A_141] : memref<10000x128xf32, #tpu.memory_space<vmem_shared>> -> memref<10000x128xf32, #tpu.memory_space<vmem_shared>>
        tpu.enqueue_indirect_dma source(%arg9 : memref<80x128xf32, #tpu.memory_space<vmem>>) target(%dma_start3A_142 : memref<10000x128xf32, #tpu.memory_space<vmem_shared>>) offsets(%dma_start3A_139 : memref<80xi32, #tpu.memory_space<vmem>>) semaphore(%run_scoped3A : memref<!tpu.dma_semaphore, #tpu.memory_space<semaphore_mem>>) {add = true}
        %dma_wait3A_143 = tpu.memref_slice %arg8[%mul3A_79] : memref<10000xi32, #tpu.memory_space<vmem>> -> memref<80xi32, #tpu.memory_space<vmem>>
        %dma_wait3A_144 = arith.constant 0 : i32
        %dma_wait3A_145 = arith.constant 0 : i32
        %dma_wait3A_146 = tpu.memref_slice %arg11[%dma_wait3A_144, %dma_wait3A_145] : memref<10000x128xf32, #tpu.memory_space<vmem_shared>> -> memref<10000x128xf32, #tpu.memory_space<vmem_shared>>
        tpu.wait_indirect_dma semaphore(%run_scoped3A : memref<!tpu.dma_semaphore, #tpu.memory_space<semaphore_mem>>) src(%arg9 : memref<80x128xf32, #tpu.memory_space<vmem>>) dst(%dma_wait3A_146 : memref<10000x128xf32, #tpu.memory_space<vmem_shared>>)
        tpu.yield
      }) : () -> ()
      %add3A_80 = arith.constant 2 : i32
      %add3A_81 = arith.addi %add3A_63, %add3A_80 : i32
      %mul3A_82 = arith.constant 80 : i32
      %mul3A_83 = arith.muli %add3A_81, %mul3A_82 : i32
      %dma_start3A_84 = tpu.memref_slice %arg7[%mul3A_83] : memref<10000xi32, #tpu.memory_space<vmem>> -> memref<80xi32, #tpu.memory_space<vmem>>
      %dma_start3A_85 = arith.constant 0 : i32
      %dma_start3A_86 = arith.constant 0 : i32
      %dma_start3A_87 = tpu.memref_slice %arg2[%dma_start3A_85, %dma_start3A_86] : memref<10000x128xf32, #tpu.memory_space<hbm>> -> memref<10000x128xf32, #tpu.memory_space<hbm>>
      tpu.enqueue_indirect_dma source(%dma_start3A_87 : memref<10000x128xf32, #tpu.memory_space<hbm>>) target(%arg9 : memref<80x128xf32, #tpu.memory_space<vmem>>) offsets(%dma_start3A_84 : memref<80xi32, #tpu.memory_space<vmem>>) semaphore(%arg12 : memref<!tpu.dma_semaphore, #tpu.memory_space<semaphore_mem>>)
      %add3A_88 = arith.constant 1 : i32
      %add3A_89 = arith.addi %add3A_63, %add3A_88 : i32
      %mul3A_90 = arith.constant 80 : i32
      %mul3A_91 = arith.muli %add3A_89, %mul3A_90 : i32
      %dma_wait3A_92 = tpu.memref_slice %arg7[%mul3A_91] : memref<10000xi32, #tpu.memory_space<vmem>> -> memref<80xi32, #tpu.memory_space<vmem>>
      %dma_wait3A_93 = arith.constant 0 : i32
      %dma_wait3A_94 = arith.constant 0 : i32
      %dma_wait3A_95 = tpu.memref_slice %arg2[%dma_wait3A_93, %dma_wait3A_94] : memref<10000x128xf32, #tpu.memory_space<hbm>> -> memref<10000x128xf32, #tpu.memory_space<hbm>>
      tpu.wait_indirect_dma semaphore(%arg13 : memref<!tpu.dma_semaphore, #tpu.memory_space<semaphore_mem>>) src(%dma_wait3A_95 : memref<10000x128xf32, #tpu.memory_space<hbm>>) dst(%arg10 : memref<80x128xf32, #tpu.memory_space<vmem>>)
      %add3A_96 = arith.constant 1 : i32
      %add3A_97 = arith.addi %add3A_63, %add3A_96 : i32
      %mul3A_98 = arith.constant 80 : i32
      %mul3A_99 = arith.muli %add3A_97, %mul3A_98 : i32
      "tpu.region"() ({
        %run_scoped3A = tpu.sem_alloc : memref<!tpu.dma_semaphore, #tpu.memory_space<semaphore_mem>>
        %dma_start3A_139 = tpu.memref_slice %arg8[%mul3A_99] : memref<10000xi32, #tpu.memory_space<vmem>> -> memref<80xi32, #tpu.memory_space<vmem>>
        %dma_start3A_140 = arith.constant 0 : i32
        %dma_start3A_141 = arith.constant 0 : i32
        %dma_start3A_142 = tpu.memref_slice %arg11[%dma_start3A_140, %dma_start3A_141] : memref<10000x128xf32, #tpu.memory_space<vmem_shared>> -> memref<10000x128xf32, #tpu.memory_space<vmem_shared>>
        tpu.enqueue_indirect_dma source(%arg10 : memref<80x128xf32, #tpu.memory_space<vmem>>) target(%dma_start3A_142 : memref<10000x128xf32, #tpu.memory_space<vmem_shared>>) offsets(%dma_start3A_139 : memref<80xi32, #tpu.memory_space<vmem>>) semaphore(%run_scoped3A : memref<!tpu.dma_semaphore, #tpu.memory_space<semaphore_mem>>) {add = true}
        %dma_wait3A_143 = tpu.memref_slice %arg8[%mul3A_99] : memref<10000xi32, #tpu.memory_space<vmem>> -> memref<80xi32, #tpu.memory_space<vmem>>
        %dma_wait3A_144 = arith.constant 0 : i32
        %dma_wait3A_145 = arith.constant 0 : i32
        %dma_wait3A_146 = tpu.memref_slice %arg11[%dma_wait3A_144, %dma_wait3A_145] : memref<10000x128xf32, #tpu.memory_space<vmem_shared>> -> memref<10000x128xf32, #tpu.memory_space<vmem_shared>>
        tpu.wait_indirect_dma semaphore(%run_scoped3A : memref<!tpu.dma_semaphore, #tpu.memory_space<semaphore_mem>>) src(%arg10 : memref<80x128xf32, #tpu.memory_space<vmem>>) dst(%dma_wait3A_146 : memref<10000x128xf32, #tpu.memory_space<vmem_shared>>)
        tpu.yield
      }) : () -> ()
      %add3A_100 = arith.constant 2 : i32
      %add3A_101 = arith.addi %mul3A_61, %add3A_100 : i32
      %add3A_102 = arith.constant 1 : i32
      %add3A_103 = arith.addi %add3A_101, %add3A_102 : i32
      %mul3A_104 = arith.constant 80 : i32
      %mul3A_105 = arith.muli %add3A_103, %mul3A_104 : i32
      %dma_start3A_106 = tpu.memref_slice %arg7[%mul3A_105] : memref<10000xi32, #tpu.memory_space<vmem>> -> memref<80xi32, #tpu.memory_space<vmem>>
      %dma_start3A_107 = arith.constant 0 : i32
      %dma_start3A_108 = arith.constant 0 : i32
      %dma_start3A_109 = tpu.memref_slice %arg2[%dma_start3A_107, %dma_start3A_108] : memref<10000x128xf32, #tpu.memory_space<hbm>> -> memref<10000x128xf32, #tpu.memory_space<hbm>>
      tpu.enqueue_indirect_dma source(%dma_start3A_109 : memref<10000x128xf32, #tpu.memory_space<hbm>>) target(%arg10 : memref<80x128xf32, #tpu.memory_space<vmem>>) offsets(%dma_start3A_106 : memref<80xi32, #tpu.memory_space<vmem>>) semaphore(%arg13 : memref<!tpu.dma_semaphore, #tpu.memory_space<semaphore_mem>>)
      %mul3A_110 = arith.constant 80 : i32
      %mul3A_111 = arith.muli %add3A_101, %mul3A_110 : i32
      %dma_wait3A_112 = tpu.memref_slice %arg7[%mul3A_111] : memref<10000xi32, #tpu.memory_space<vmem>> -> memref<80xi32, #tpu.memory_space<vmem>>
      %dma_wait3A_113 = arith.constant 0 : i32
      %dma_wait3A_114 = arith.constant 0 : i32
      %dma_wait3A_115 = tpu.memref_slice %arg2[%dma_wait3A_113, %dma_wait3A_114] : memref<10000x128xf32, #tpu.memory_space<hbm>> -> memref<10000x128xf32, #tpu.memory_space<hbm>>
      tpu.wait_indirect_dma semaphore(%arg12 : memref<!tpu.dma_semaphore, #tpu.memory_space<semaphore_mem>>) src(%dma_wait3A_115 : memref<10000x128xf32, #tpu.memory_space<hbm>>) dst(%arg9 : memref<80x128xf32, #tpu.memory_space<vmem>>)
      %mul3A_116 = arith.constant 80 : i32
      %mul3A_117 = arith.muli %add3A_101, %mul3A_116 : i32
      "tpu.region"() ({
        %run_scoped3A = tpu.sem_alloc : memref<!tpu.dma_semaphore, #tpu.memory_space<semaphore_mem>>
        %dma_start3A_139 = tpu.memref_slice %arg8[%mul3A_117] : memref<10000xi32, #tpu.memory_space<vmem>> -> memref<80xi32, #tpu.memory_space<vmem>>
        %dma_start3A_140 = arith.constant 0 : i32
        %dma_start3A_141 = arith.constant 0 : i32
        %dma_start3A_142 = tpu.memref_slice %arg11[%dma_start3A_140, %dma_start3A_141] : memref<10000x128xf32, #tpu.memory_space<vmem_shared>> -> memref<10000x128xf32, #tpu.memory_space<vmem_shared>>
        tpu.enqueue_indirect_dma source(%arg9 : memref<80x128xf32, #tpu.memory_space<vmem>>) target(%dma_start3A_142 : memref<10000x128xf32, #tpu.memory_space<vmem_shared>>) offsets(%dma_start3A_139 : memref<80xi32, #tpu.memory_space<vmem>>) semaphore(%run_scoped3A : memref<!tpu.dma_semaphore, #tpu.memory_space<semaphore_mem>>) {add = true}
        %dma_wait3A_143 = tpu.memref_slice %arg8[%mul3A_117] : memref<10000xi32, #tpu.memory_space<vmem>> -> memref<80xi32, #tpu.memory_space<vmem>>
        %dma_wait3A_144 = arith.constant 0 : i32
        %dma_wait3A_145 = arith.constant 0 : i32
        %dma_wait3A_146 = tpu.memref_slice %arg11[%dma_wait3A_144, %dma_wait3A_145] : memref<10000x128xf32, #tpu.memory_space<vmem_shared>> -> memref<10000x128xf32, #tpu.memory_space<vmem_shared>>
        tpu.wait_indirect_dma semaphore(%run_scoped3A : memref<!tpu.dma_semaphore, #tpu.memory_space<semaphore_mem>>) src(%arg9 : memref<80x128xf32, #tpu.memory_space<vmem>>) dst(%dma_wait3A_146 : memref<10000x128xf32, #tpu.memory_space<vmem_shared>>)
        tpu.yield
      }) : () -> ()
      %add3A_118 = arith.constant 2 : i32
      %add3A_119 = arith.addi %add3A_101, %add3A_118 : i32
      %mul3A_120 = arith.constant 80 : i32
      %mul3A_121 = arith.muli %add3A_119, %mul3A_120 : i32
      %dma_start3A_122 = tpu.memref_slice %arg7[%mul3A_121] : memref<10000xi32, #tpu.memory_space<vmem>> -> memref<80xi32, #tpu.memory_space<vmem>>
      %dma_start3A_123 = arith.constant 0 : i32
      %dma_start3A_124 = arith.constant 0 : i32
      %dma_start3A_125 = tpu.memref_slice %arg2[%dma_start3A_123, %dma_start3A_124] : memref<10000x128xf32, #tpu.memory_space<hbm>> -> memref<10000x128xf32, #tpu.memory_space<hbm>>
      tpu.enqueue_indirect_dma source(%dma_start3A_125 : memref<10000x128xf32, #tpu.memory_space<hbm>>) target(%arg9 : memref<80x128xf32, #tpu.memory_space<vmem>>) offsets(%dma_start3A_122 : memref<80xi32, #tpu.memory_space<vmem>>) semaphore(%arg12 : memref<!tpu.dma_semaphore, #tpu.memory_space<semaphore_mem>>)
      %add3A_126 = arith.constant 1 : i32
      %add3A_127 = arith.addi %add3A_101, %add3A_126 : i32
      %mul3A_128 = arith.constant 80 : i32
      %mul3A_129 = arith.muli %add3A_127, %mul3A_128 : i32
      %dma_wait3A_130 = tpu.memref_slice %arg7[%mul3A_129] : memref<10000xi32, #tpu.memory_space<vmem>> -> memref<80xi32, #tpu.memory_space<vmem>>
      %dma_wait3A_131 = arith.constant 0 : i32
      %dma_wait3A_132 = arith.constant 0 : i32
      %dma_wait3A_133 = tpu.memref_slice %arg2[%dma_wait3A_131, %dma_wait3A_132] : memref<10000x128xf32, #tpu.memory_space<hbm>> -> memref<10000x128xf32, #tpu.memory_space<hbm>>
      tpu.wait_indirect_dma semaphore(%arg13 : memref<!tpu.dma_semaphore, #tpu.memory_space<semaphore_mem>>) src(%dma_wait3A_133 : memref<10000x128xf32, #tpu.memory_space<hbm>>) dst(%arg10 : memref<80x128xf32, #tpu.memory_space<vmem>>)
      %add3A_134 = arith.constant 1 : i32
      %add3A_135 = arith.addi %add3A_101, %add3A_134 : i32
      %mul3A_136 = arith.constant 80 : i32
      %mul3A_137 = arith.muli %add3A_135, %mul3A_136 : i32
      "tpu.region"() ({
        %run_scoped3A = tpu.sem_alloc : memref<!tpu.dma_semaphore, #tpu.memory_space<semaphore_mem>>
        %dma_start3A_139 = tpu.memref_slice %arg8[%mul3A_137] : memref<10000xi32, #tpu.memory_space<vmem>> -> memref<80xi32, #tpu.memory_space<vmem>>
        %dma_start3A_140 = arith.constant 0 : i32
        %dma_start3A_141 = arith.constant 0 : i32
        %dma_start3A_142 = tpu.memref_slice %arg11[%dma_start3A_140, %dma_start3A_141] : memref<10000x128xf32, #tpu.memory_space<vmem_shared>> -> memref<10000x128xf32, #tpu.memory_space<vmem_shared>>
        tpu.enqueue_indirect_dma source(%arg10 : memref<80x128xf32, #tpu.memory_space<vmem>>) target(%dma_start3A_142 : memref<10000x128xf32, #tpu.memory_space<vmem_shared>>) offsets(%dma_start3A_139 : memref<80xi32, #tpu.memory_space<vmem>>) semaphore(%run_scoped3A : memref<!tpu.dma_semaphore, #tpu.memory_space<semaphore_mem>>) {add = true}
        %dma_wait3A_143 = tpu.memref_slice %arg8[%mul3A_137] : memref<10000xi32, #tpu.memory_space<vmem>> -> memref<80xi32, #tpu.memory_space<vmem>>
        %dma_wait3A_144 = arith.constant 0 : i32
        %dma_wait3A_145 = arith.constant 0 : i32
        %dma_wait3A_146 = tpu.memref_slice %arg11[%dma_wait3A_144, %dma_wait3A_145] : memref<10000x128xf32, #tpu.memory_space<vmem_shared>> -> memref<10000x128xf32, #tpu.memory_space<vmem_shared>>
        tpu.wait_indirect_dma semaphore(%run_scoped3A : memref<!tpu.dma_semaphore, #tpu.memory_space<semaphore_mem>>) src(%arg10 : memref<80x128xf32, #tpu.memory_space<vmem>>) dst(%dma_wait3A_146 : memref<10000x128xf32, #tpu.memory_space<vmem_shared>>)
        tpu.yield
      }) : () -> ()
      %scan3A_138 = arith.constant 0 : i32
      scf.yield %scan3A_138 : i32
    }
    %scan3A_41 = arith.constant 31 : i32
    %dma_wait3A_42 = arith.constant 9920 : i32
    %dma_wait3A_43 = tpu.memref_slice %arg7[%dma_wait3A_42] : memref<10000xi32, #tpu.memory_space<vmem>> -> memref<80xi32, #tpu.memory_space<vmem>>
    %dma_wait3A_44 = arith.constant 0 : i32
    %dma_wait3A_45 = arith.constant 0 : i32
    %dma_wait3A_46 = tpu.memref_slice %arg2[%dma_wait3A_44, %dma_wait3A_45] : memref<10000x128xf32, #tpu.memory_space<hbm>> -> memref<10000x128xf32, #tpu.memory_space<hbm>>
    tpu.wait_indirect_dma semaphore(%arg12 : memref<!tpu.dma_semaphore, #tpu.memory_space<semaphore_mem>>) src(%dma_wait3A_46 : memref<10000x128xf32, #tpu.memory_space<hbm>>) dst(%arg9 : memref<80x128xf32, #tpu.memory_space<vmem>>)
    "tpu.region"() ({
      %run_scoped3A = tpu.sem_alloc : memref<!tpu.dma_semaphore, #tpu.memory_space<semaphore_mem>>
      %dma_start3A_58 = arith.constant 9920 : i32
      %dma_start3A_59 = tpu.memref_slice %arg8[%dma_start3A_58] : memref<10000xi32, #tpu.memory_space<vmem>> -> memref<80xi32, #tpu.memory_space<vmem>>
      %dma_start3A_60 = arith.constant 0 : i32
      %dma_start3A_61 = arith.constant 0 : i32
      %dma_start3A_62 = tpu.memref_slice %arg11[%dma_start3A_60, %dma_start3A_61] : memref<10000x128xf32, #tpu.memory_space<vmem_shared>> -> memref<10000x128xf32, #tpu.memory_space<vmem_shared>>
      tpu.enqueue_indirect_dma source(%arg9 : memref<80x128xf32, #tpu.memory_space<vmem>>) target(%dma_start3A_62 : memref<10000x128xf32, #tpu.memory_space<vmem_shared>>) offsets(%dma_start3A_59 : memref<80xi32, #tpu.memory_space<vmem>>) semaphore(%run_scoped3A : memref<!tpu.dma_semaphore, #tpu.memory_space<semaphore_mem>>) {add = true}
      %dma_wait3A_63 = arith.constant 9920 : i32
      %dma_wait3A_64 = tpu.memref_slice %arg8[%dma_wait3A_63] : memref<10000xi32, #tpu.memory_space<vmem>> -> memref<80xi32, #tpu.memory_space<vmem>>
      %dma_wait3A_65 = arith.constant 0 : i32
      %dma_wait3A_66 = arith.constant 0 : i32
      %dma_wait3A_67 = tpu.memref_slice %arg11[%dma_wait3A_65, %dma_wait3A_66] : memref<10000x128xf32, #tpu.memory_space<vmem_shared>> -> memref<10000x128xf32, #tpu.memory_space<vmem_shared>>
      tpu.wait_indirect_dma semaphore(%run_scoped3A : memref<!tpu.dma_semaphore, #tpu.memory_space<semaphore_mem>>) src(%arg9 : memref<80x128xf32, #tpu.memory_space<vmem>>) dst(%dma_wait3A_67 : memref<10000x128xf32, #tpu.memory_space<vmem_shared>>)
      tpu.yield
    }) : () -> ()
    %barrier3A_47 = arith.constant 0 : index
    tpu.barrier barrier_id(%barrier3A_47)
    %lt3A_48 = arith.constant 15 : i32
    %lt3A_49 = arith.cmpi slt, %arg1, %lt3A_48 : i32
    %convert_element_type3A_50 = arith.extui %lt3A_49 : i1 to i32
    %cond3A_51 = arith.constant 0 : i32
    %cond3A_52 = arith.cmpi ne, %convert_element_type3A_50, %cond3A_51 : i32
    scf.if %cond3A_52 {
      "tpu.region"() ({
        %run_scoped3A = tpu.sem_alloc : memref<!tpu.dma_semaphore, #tpu.memory_space<semaphore_mem>>
        %dma_start3A_58 = arith.constant 0 : i32
        %dma_start3A_59 = arith.constant 0 : i32
        %dma_start3A_60 = tpu.memref_slice %arg6[%arg0, %dma_start3A_58, %dma_start3A_59] : memref<2x10000x128xf32, #tpu.memory_space<hbm>> -> memref<1x10000x128xf32, #tpu.memory_space<hbm>>
        %dma_start3A_61 = tpu.memref_squeeze %dma_start3A_60 : memref<1x10000x128xf32, #tpu.memory_space<hbm>> -> memref<10000x128xf32, #tpu.memory_space<hbm>>
        %dma_start3A_62 = arith.constant 0 : i32
        %dma_start3A_63 = tpu.memref_slice %dma_start3A_61[%mul3A_2, %dma_start3A_62] : memref<10000x128xf32, #tpu.memory_space<hbm>> -> memref<632x128xf32, #tpu.memory_space<hbm>>
        %dma_start3A_64 = arith.constant 0 : i32
        %dma_start3A_65 = tpu.memref_slice %arg11[%mul3A_2, %dma_start3A_64] : memref<10000x128xf32, #tpu.memory_space<vmem_shared>> -> memref<632x128xf32, #tpu.memory_space<vmem_shared>>
        tpu.enqueue_dma source(%dma_start3A_65 : memref<632x128xf32, #tpu.memory_space<vmem_shared>>) target(%dma_start3A_63 : memref<632x128xf32, #tpu.memory_space<hbm>>) target_semaphore(%run_scoped3A : memref<!tpu.dma_semaphore, #tpu.memory_space<semaphore_mem>>)
        %dma_wait3A_66 = arith.constant 0 : i32
        %dma_wait3A_67 = arith.constant 0 : i32
        %dma_wait3A_68 = tpu.memref_slice %arg6[%arg0, %dma_wait3A_66, %dma_wait3A_67] : memref<2x10000x128xf32, #tpu.memory_space<hbm>> -> memref<1x10000x128xf32, #tpu.memory_space<hbm>>
        %dma_wait3A_69 = tpu.memref_squeeze %dma_wait3A_68 : memref<1x10000x128xf32, #tpu.memory_space<hbm>> -> memref<10000x128xf32, #tpu.memory_space<hbm>>
        %dma_wait3A_70 = arith.constant 0 : i32
        %dma_wait3A_71 = tpu.memref_slice %dma_wait3A_69[%mul3A_2, %dma_wait3A_70] : memref<10000x128xf32, #tpu.memory_space<hbm>> -> memref<632x128xf32, #tpu.memory_space<hbm>>
        %dma_wait3A_72 = arith.constant 0 : i32
        %dma_wait3A_73 = tpu.memref_slice %arg11[%mul3A_2, %dma_wait3A_72] : memref<10000x128xf32, #tpu.memory_space<vmem_shared>> -> memref<632x128xf32, #tpu.memory_space<vmem_shared>>
        tpu.wait_dma2 semaphore(%run_scoped3A : memref<!tpu.dma_semaphore, #tpu.memory_space<semaphore_mem>>) src(%dma_wait3A_73 : memref<632x128xf32, #tpu.memory_space<vmem_shared>>) dst(%dma_wait3A_71 : memref<632x128xf32, #tpu.memory_space<hbm>>)
        tpu.yield
      }) : () -> ()
    } else {
    }
    %eq3A_53 = arith.constant 15 : i32
    %eq3A_54 = arith.cmpi eq, %arg1, %eq3A_53 : i32
    %convert_element_type3A_55 = arith.extui %eq3A_54 : i1 to i32
    %cond3A_56 = arith.constant 0 : i32
    %cond3A_57 = arith.cmpi ne, %convert_element_type3A_55, %cond3A_56 : i32
    scf.if %cond3A_57 {
      "tpu.region"() ({
        %run_scoped3A = tpu.sem_alloc : memref<!tpu.dma_semaphore, #tpu.memory_space<semaphore_mem>>
        %dma_start3A_58 = arith.constant 0 : i32
        %dma_start3A_59 = arith.constant 0 : i32
        %dma_start3A_60 = tpu.memref_slice %arg6[%arg0, %dma_start3A_58, %dma_start3A_59] : memref<2x10000x128xf32, #tpu.memory_space<hbm>> -> memref<1x10000x128xf32, #tpu.memory_space<hbm>>
        %dma_start3A_61 = tpu.memref_squeeze %dma_start3A_60 : memref<1x10000x128xf32, #tpu.memory_space<hbm>> -> memref<10000x128xf32, #tpu.memory_space<hbm>>
        %dma_start3A_62 = arith.constant 9480 : i32
        %dma_start3A_63 = arith.constant 0 : i32
        %dma_start3A_64 = tpu.memref_slice %dma_start3A_61[%dma_start3A_62, %dma_start3A_63] : memref<10000x128xf32, #tpu.memory_space<hbm>> -> memref<520x128xf32, #tpu.memory_space<hbm>>
        %dma_start3A_65 = arith.constant 9480 : i32
        %dma_start3A_66 = arith.constant 0 : i32
        %dma_start3A_67 = tpu.memref_slice %arg11[%dma_start3A_65, %dma_start3A_66] : memref<10000x128xf32, #tpu.memory_space<vmem_shared>> -> memref<520x128xf32, #tpu.memory_space<vmem_shared>>
        tpu.enqueue_dma source(%dma_start3A_67 : memref<520x128xf32, #tpu.memory_space<vmem_shared>>) target(%dma_start3A_64 : memref<520x128xf32, #tpu.memory_space<hbm>>) target_semaphore(%run_scoped3A : memref<!tpu.dma_semaphore, #tpu.memory_space<semaphore_mem>>)
        %dma_wait3A_68 = arith.constant 0 : i32
        %dma_wait3A_69 = arith.constant 0 : i32
        %dma_wait3A_70 = tpu.memref_slice %arg6[%arg0, %dma_wait3A_68, %dma_wait3A_69] : memref<2x10000x128xf32, #tpu.memory_space<hbm>> -> memref<1x10000x128xf32, #tpu.memory_space<hbm>>
        %dma_wait3A_71 = tpu.memref_squeeze %dma_wait3A_70 : memref<1x10000x128xf32, #tpu.memory_space<hbm>> -> memref<10000x128xf32, #tpu.memory_space<hbm>>
        %dma_wait3A_72 = arith.constant 9480 : i32
        %dma_wait3A_73 = arith.constant 0 : i32
        %dma_wait3A_74 = tpu.memref_slice %dma_wait3A_71[%dma_wait3A_72, %dma_wait3A_73] : memref<10000x128xf32, #tpu.memory_space<hbm>> -> memref<520x128xf32, #tpu.memory_space<hbm>>
        %dma_wait3A_75 = arith.constant 9480 : i32
        %dma_wait3A_76 = arith.constant 0 : i32
        %dma_wait3A_77 = tpu.memref_slice %arg11[%dma_wait3A_75, %dma_wait3A_76] : memref<10000x128xf32, #tpu.memory_space<vmem_shared>> -> memref<520x128xf32, #tpu.memory_space<vmem_shared>>
        tpu.wait_dma2 semaphore(%run_scoped3A : memref<!tpu.dma_semaphore, #tpu.memory_space<semaphore_mem>>) src(%dma_wait3A_77 : memref<520x128xf32, #tpu.memory_space<vmem_shared>>) dst(%dma_wait3A_74 : memref<520x128xf32, #tpu.memory_space<hbm>>)
        tpu.yield
      }) : () -> ()
    } else {
    }
    return
  }
}

module attributes {stable_mosaic.version = 14 : i64} {
  func.func @_mm1_body(%arg0: i32, %arg1: memref<1000x128xf32, #tpu.memory_space<vmem>>, %arg2: memref<100x128xf32, #tpu.memory_space<vmem>>, %arg3: memref<1000x128xf32, #tpu.memory_space<vmem>>) attributes {dimension_semantics = [#tpu.dimension_semantics<arbitrary>], iteration_bounds = array<i64: 10>, scalar_prefetch = 0 : i64, scratch_operands = 0 : i64, tpu.core_type = #tpu.core_type<tc>, window_params = [{transform_indices = @transform_0, window_bounds = array<i64: 1000, 128>}, {pipeline_mode = #tpu.pipeline_mode<synchronous>, transform_indices = @transform_1, window_bounds = array<i64: 100, 128>}, {transform_indices = @transform_2, window_bounds = array<i64: 1000, 128>}]} {
    %get3A = arith.constant 0 : index
    %get3A_0 = arith.constant 0 : index
    %get3A_1 = vector.load %arg1[%get3A, %get3A_0] : memref<1000x128xf32, #tpu.memory_space<vmem>>, vector<1000x128xf32>
    %get3A_2 = arith.constant 0 : index
    %get3A_3 = arith.constant 0 : index
    %get3A_4 = vector.load %arg2[%get3A_2, %get3A_3] : memref<100x128xf32, #tpu.memory_space<vmem>>, vector<100x128xf32>
    %dot_general3A = arith.constant dense<0.000000e+00> : vector<1000x100xf32>
    %dot_general3A_5 = tpu.matmul %get3A_1, %get3A_4, %dot_general3A {dimension_numbers = #tpu.dot_dimension_numbers<[1], [1], [0], [0], [0, 0, 1, 0], [], []>, transpose_lhs_hint = false} : vector<1000x128xf32>, vector<100x128xf32>, vector<1000x100xf32> -> vector<1000x100xf32>
    %broadcast_in_dim3A = arith.constant 1.000000e+00 : f32
    %broadcast_in_dim3A_6 = vector.broadcast %broadcast_in_dim3A : f32 to vector<1000x1xf32>
    %broadcast_in_dim3A_7 = arith.constant 0.000000e+00 : f32
    %broadcast_in_dim3A_8 = vector.broadcast %broadcast_in_dim3A_7 : f32 to vector<1000x27xf32>
    %concatenate3A = tpu.concatenate %dot_general3A_5, %broadcast_in_dim3A_6, %broadcast_in_dim3A_8 in 1 : vector<1000x100xf32>, vector<1000x1xf32>, vector<1000x27xf32> -> vector<1000x128xf32>
    %swap3A = arith.constant 0 : index
    %swap3A_9 = arith.constant 0 : index
    %swap3A_10 = vector.load %arg3[%swap3A, %swap3A_9] : memref<1000x128xf32, #tpu.memory_space<vmem>>, vector<1000x128xf32>
    tpu.vector_store %arg3[%swap3A, %swap3A_9], %concatenate3A {strides = array<i32>} : memref<1000x128xf32, #tpu.memory_space<vmem>>, vector<1000x128xf32>,
    return
  }
  func.func @transform_0(%arg0: i32) -> (i32, i32) {
    %c0_i32 = arith.constant 0 : i32
    %c0_i32_0 = arith.constant 0 : i32
    return %arg0, %c0_i32 : i32, i32
  }
  func.func @transform_1(%arg0: i32) -> (i32, i32) {
    %c0_i32 = arith.constant 0 : i32
    %c0_i32_0 = arith.constant 0 : i32
    %c0_i32_1 = arith.constant 0 : i32
    return %c0_i32, %c0_i32_0 : i32, i32
  }
  func.func @transform_2(%arg0: i32) -> (i32, i32) {
    %c0_i32 = arith.constant 0 : i32
    %c0_i32_0 = arith.constant 0 : i32
    return %arg0, %c0_i32 : i32, i32
  }
}

module attributes {stable_mosaic.version = 14 : i64} {
  func.func @_mid_body(%arg0: i32, %arg1: memref<1000x128xf32, #tpu.memory_space<vmem>>, %arg2: memref<1000x128xf32, #tpu.memory_space<vmem>>, %arg3: memref<1000x128xf32, #tpu.memory_space<vmem>>, %arg4: memref<20x100xf32, #tpu.memory_space<vmem>>, %arg5: memref<1x100xf32, #tpu.memory_space<vmem>>, %arg6: memref<1000x128xf32, #tpu.memory_space<vmem>>, %arg7: memref<1000x1xf32, #tpu.memory_space<vmem>>) attributes {dimension_semantics = [#tpu.dimension_semantics<arbitrary>], iteration_bounds = array<i64: 10>, scalar_prefetch = 0 : i64, scratch_operands = 0 : i64, tpu.core_type = #tpu.core_type<tc>, window_params = [{transform_indices = @transform_0, window_bounds = array<i64: 1000, 128>}, {transform_indices = @transform_1, window_bounds = array<i64: 1000, 128>}, {transform_indices = @transform_2, window_bounds = array<i64: 1000, 128>}, {pipeline_mode = #tpu.pipeline_mode<synchronous>, transform_indices = @transform_3, window_bounds = array<i64: 20, 100>}, {pipeline_mode = #tpu.pipeline_mode<synchronous>, transform_indices = @transform_4, window_bounds = array<i64: 1, 100>}, {transform_indices = @transform_5, window_bounds = array<i64: 1000, 128>}, {transform_indices = @transform_6, window_bounds = array<i64: 1000, 1>}]} {
    %get3A = arith.constant 0 : index
    %get3A_0 = arith.constant 0 : index
    %get3A_1 = vector.load %arg1[%get3A, %get3A_0] : memref<1000x128xf32, #tpu.memory_space<vmem>>, vector<1000x128xf32>
    %get3A_2 = arith.constant 0 : index
    %get3A_3 = arith.constant 0 : index
    %get3A_4 = vector.load %arg2[%get3A_2, %get3A_3] : memref<1000x128xf32, #tpu.memory_space<vmem>>, vector<1000x128xf32>
    %add3A = arith.addf %get3A_1, %get3A_4 : vector<1000x128xf32>
    %iota3A = tpu.iota {dimensions = array<i32: 1>} : vector<1000x128xi32>
    %eq3A = arith.constant 100 : i32
    %eq3A_5 = vector.broadcast %eq3A : i32 to vector<1000x128xi32>
    %eq3A_6 = arith.cmpi eq, %iota3A, %eq3A_5 : vector<1000x128xi32>
    %jit3A = arith.constant 0.000000e+00 : f32
    %broadcast_in_dim3A = vector.broadcast %jit3A : f32 to vector<1000x128xf32>
    %select_n3A = arith.select %eq3A_6, %add3A, %broadcast_in_dim3A : vector<1000x128xi1>, vector<1000x128xf32>
    %reduce_sum3A = arith.constant dense<0.000000e+00> : vector<1000xf32>
    %reduce_sum3A_7 = vector.multi_reduction <add>, %select_n3A, %reduce_sum3A [1] : vector<1000x128xf32> to vector<1000xf32>
    %broadcast_in_dim3A_8 = vector.shape_cast %reduce_sum3A_7 : vector<1000xf32> to vector<1000x1xf32>
    %max3A = arith.constant 1.000000e+00 : f32
    %max3A_9 = vector.broadcast %max3A : f32 to vector<1000x1xf32>
    %max3A_10 = arith.maximumf %broadcast_in_dim3A_8, %max3A_9 : vector<1000x1xf32>
    %div3A = vector.broadcast %max3A_10 : vector<1000x1xf32> to vector<1000x128xf32>
    %div3A_11 = arith.divf %add3A, %div3A : vector<1000x128xf32>
    %gt3A = arith.constant 0.000000e+00 : f32
    %gt3A_12 = vector.broadcast %gt3A : f32 to vector<1000x1xf32>
    %gt3A_13 = arith.cmpf ogt, %broadcast_in_dim3A_8, %gt3A_12 : vector<1000x1xf32>
    %get3A_14 = arith.constant 0 : index
    %get3A_15 = arith.constant 0 : index
    %get3A_16 = vector.load %arg3[%get3A_14, %get3A_15] : memref<1000x128xf32, #tpu.memory_space<vmem>>, vector<1000x128xf32>
    %broadcast_in_dim3A_17 = vector.shape_cast %gt3A_13 : vector<1000x1xi1> to vector<1000x1xi1>
    %broadcast_in_dim3A_18 = vector.broadcast %broadcast_in_dim3A_17 : vector<1000x1xi1> to vector<1000x128xi1>
    %select_n3A_19 = arith.select %broadcast_in_dim3A_18, %div3A_11, %get3A_16 : vector<1000x128xi1>, vector<1000x128xf32>
    %slice3A = vector.extract_strided_slice %select_n3A_19 {offsets = [0, 0], sizes = [1000, 100], strides = [1, 1]} : vector<1000x128xf32> to vector<1000x100xf32>
    %get3A_20 = arith.constant 0 : index
    %get3A_21 = arith.constant 0 : index
    %get3A_22 = vector.load %arg5[%get3A_20, %get3A_21] : memref<1x100xf32, #tpu.memory_space<vmem>>, vector<1x100xf32>
    %add3A_23 = vector.broadcast %get3A_22 : vector<1x100xf32> to vector<1000x100xf32>
    %add3A_24 = arith.addf %slice3A, %add3A_23 : vector<1000x100xf32>
    %max3A_25 = arith.constant 0.000000e+00 : f32
    %max3A_26 = vector.broadcast %max3A_25 : f32 to vector<1000x100xf32>
    %max3A_27 = arith.maximumf %add3A_24, %max3A_26 : vector<1000x100xf32>
    %get3A_28 = arith.constant 0 : index
    %get3A_29 = arith.constant 0 : index
    %get3A_30 = vector.load %arg4[%get3A_28, %get3A_29] : memref<20x100xf32, #tpu.memory_space<vmem>>, vector<20x100xf32>
    %dot_general3A = arith.constant dense<0.000000e+00> : vector<1000x20xf32>
    %dot_general3A_31 = tpu.matmul %max3A_27, %get3A_30, %dot_general3A {dimension_numbers = #tpu.dot_dimension_numbers<[1], [1], [0], [0], [0, 0, 1, 0], [], []>, transpose_lhs_hint = false} : vector<1000x100xf32>, vector<20x100xf32>, vector<1000x20xf32> -> vector<1000x20xf32>
    %broadcast_in_dim3A_32 = arith.constant 0.000000e+00 : f32
    %broadcast_in_dim3A_33 = vector.broadcast %broadcast_in_dim3A_32 : f32 to vector<1000x108xf32>
    %concatenate3A = tpu.concatenate %dot_general3A_31, %broadcast_in_dim3A_33 in 1 : vector<1000x20xf32>, vector<1000x108xf32> -> vector<1000x128xf32>
    %swap3A = arith.constant 0 : index
    %swap3A_34 = arith.constant 0 : index
    %swap3A_35 = vector.load %arg6[%swap3A, %swap3A_34] : memref<1000x128xf32, #tpu.memory_space<vmem>>, vector<1000x128xf32>
    tpu.vector_store %arg6[%swap3A, %swap3A_34], %concatenate3A {strides = array<i32>} : memref<1000x128xf32, #tpu.memory_space<vmem>>, vector<1000x128xf32>,
    %swap3A_36 = arith.constant 0 : index
    %swap3A_37 = arith.constant 0 : index
    %swap3A_38 = vector.load %arg7[%swap3A_36, %swap3A_37] : memref<1000x1xf32, #tpu.memory_space<vmem>>, vector<1000x1xf32>
    tpu.vector_store %arg7[%swap3A_36, %swap3A_37], %broadcast_in_dim3A_8 {strides = array<i32>} : memref<1000x1xf32, #tpu.memory_space<vmem>>, vector<1000x1xf32>,
    return
  }
  func.func @transform_0(%arg0: i32) -> (i32, i32) {
    %c0_i32 = arith.constant 0 : i32
    %c0_i32_0 = arith.constant 0 : i32
    return %arg0, %c0_i32 : i32, i32
  }
  func.func @transform_1(%arg0: i32) -> (i32, i32) {
    %c0_i32 = arith.constant 0 : i32
    %c0_i32_0 = arith.constant 0 : i32
    return %arg0, %c0_i32 : i32, i32
  }
  func.func @transform_2(%arg0: i32) -> (i32, i32) {
    %c0_i32 = arith.constant 0 : i32
    %c0_i32_0 = arith.constant 0 : i32
    return %arg0, %c0_i32 : i32, i32
  }
  func.func @transform_3(%arg0: i32) -> (i32, i32) {
    %c0_i32 = arith.constant 0 : i32
    %c0_i32_0 = arith.constant 0 : i32
    %c0_i32_1 = arith.constant 0 : i32
    return %c0_i32, %c0_i32_0 : i32, i32
  }
  func.func @transform_4(%arg0: i32) -> (i32, i32) {
    %c0_i32 = arith.constant 0 : i32
    %c0_i32_0 = arith.constant 0 : i32
    %c0_i32_1 = arith.constant 0 : i32
    return %c0_i32, %c0_i32_0 : i32, i32
  }
  func.func @transform_5(%arg0: i32) -> (i32, i32) {
    %c0_i32 = arith.constant 0 : i32
    %c0_i32_0 = arith.constant 0 : i32
    return %arg0, %c0_i32 : i32, i32
  }
  func.func @transform_6(%arg0: i32) -> (i32, i32) {
    %c0_i32 = arith.constant 0 : i32
    %c0_i32_0 = arith.constant 0 : i32
    return %arg0, %c0_i32 : i32, i32
  }
}

module attributes {stable_mosaic.version = 14 : i64} {
  func.func @_final_body(%arg0: memref<10000x128xf32, #tpu.memory_space<vmem>>, %arg1: memref<10000x128xf32, #tpu.memory_space<vmem>>, %arg2: memref<10000x128xf32, #tpu.memory_space<vmem>>, %arg3: memref<10000x1xf32, #tpu.memory_space<vmem>>, %arg4: memref<10000x1xi32, #tpu.memory_space<vmem>>, %arg5: memref<1x20xf32, #tpu.memory_space<vmem>>, %arg6: memref<16x3xf32, #tpu.memory_space<vmem>>, %arg7: memref<60x32xf32, #tpu.memory_space<vmem>>, %arg8: memref<1x32xf32, #tpu.memory_space<vmem>>, %arg9: memref<1x32xf32, #tpu.memory_space<vmem>>, %arg10: memref<1x32xf32, #tpu.memory_space<vmem>>, %arg11: memref<8x32xf32, #tpu.memory_space<vmem>>, %arg12: memref<1x8xf32, #tpu.memory_space<vmem>>, %arg13: memref<1x8xf32, #tpu.memory_space<vmem>>, %arg14: memref<1x8xf32, #tpu.memory_space<vmem>>, %arg15: memref<8x8xf32, #tpu.memory_space<vmem>>, %arg16: memref<1x8xf32, #tpu.memory_space<vmem>>, %arg17: memref<16x8xf32, #tpu.memory_space<vmem>>) attributes {dimension_semantics = [], scalar_prefetch = 0 : i64, scratch_operands = 0 : i64, tpu.core_type = #tpu.core_type<tc>} {
    %get3A = arith.constant 0 : index
    %get3A_0 = arith.constant 0 : index
    %get3A_1 = vector.load %arg3[%get3A, %get3A_0] : memref<10000x1xf32, #tpu.memory_space<vmem>>, vector<10000x1xf32>
    %get3A_2 = arith.constant 0 : index
    %get3A_3 = arith.constant 0 : index
    %get3A_4 = vector.load %arg0[%get3A_2, %get3A_3] : memref<10000x128xf32, #tpu.memory_space<vmem>>, vector<10000x128xf32>
    %get3A_5 = arith.constant 0 : index
    %get3A_6 = arith.constant 0 : index
    %get3A_7 = vector.load %arg1[%get3A_5, %get3A_6] : memref<10000x128xf32, #tpu.memory_space<vmem>>, vector<10000x128xf32>
    %add3A = arith.addf %get3A_4, %get3A_7 : vector<10000x128xf32>
    %max3A = arith.constant 1.000000e+00 : f32
    %max3A_8 = vector.broadcast %max3A : f32 to vector<10000x1xf32>
    %max3A_9 = arith.maximumf %get3A_1, %max3A_8 : vector<10000x1xf32>
    %div3A = vector.broadcast %max3A_9 : vector<10000x1xf32> to vector<10000x128xf32>
    %div3A_10 = arith.divf %add3A, %div3A : vector<10000x128xf32>
    %gt3A = arith.constant 0.000000e+00 : f32
    %gt3A_11 = vector.broadcast %gt3A : f32 to vector<10000x1xf32>
    %gt3A_12 = arith.cmpf ogt, %get3A_1, %gt3A_11 : vector<10000x1xf32>
    %get3A_13 = arith.constant 0 : index
    %get3A_14 = arith.constant 0 : index
    %get3A_15 = vector.load %arg2[%get3A_13, %get3A_14] : memref<10000x128xf32, #tpu.memory_space<vmem>>, vector<10000x128xf32>
    %broadcast_in_dim3A = vector.shape_cast %gt3A_12 : vector<10000x1xi1> to vector<10000x1xi1>
    %broadcast_in_dim3A_16 = vector.broadcast %broadcast_in_dim3A : vector<10000x1xi1> to vector<10000x128xi1>
    %select_n3A = arith.select %broadcast_in_dim3A_16, %div3A_10, %get3A_15 : vector<10000x128xi1>, vector<10000x128xf32>
    %slice3A = vector.extract_strided_slice %select_n3A {offsets = [0, 0], sizes = [10000, 20], strides = [1, 1]} : vector<10000x128xf32> to vector<10000x20xf32>
    %get3A_17 = arith.constant 0 : index
    %get3A_18 = arith.constant 0 : index
    %get3A_19 = vector.load %arg5[%get3A_17, %get3A_18] : memref<1x20xf32, #tpu.memory_space<vmem>>, vector<1x20xf32>
    %add3A_20 = vector.broadcast %get3A_19 : vector<1x20xf32> to vector<10000x20xf32>
    %add3A_21 = arith.addf %slice3A, %add3A_20 : vector<10000x20xf32>
    %max3A_22 = arith.constant 0.000000e+00 : f32
    %max3A_23 = vector.broadcast %max3A_22 : f32 to vector<10000x20xf32>
    %max3A_24 = arith.maximumf %add3A_21, %max3A_23 : vector<10000x20xf32>
    %iota3A = tpu.iota {dimensions = array<i32: 1>} : vector<10000x16xi32>
    %get3A_25 = arith.constant 0 : index
    %get3A_26 = arith.constant 0 : index
    %get3A_27 = vector.load %arg4[%get3A_25, %get3A_26] : memref<10000x1xi32, #tpu.memory_space<vmem>>, vector<10000x1xi32>
    %eq3A = vector.broadcast %get3A_27 : vector<10000x1xi32> to vector<10000x16xi32>
    %eq3A_28 = arith.cmpi eq, %eq3A, %iota3A : vector<10000x16xi32>
    %jit3A = arith.constant 1.000000e+00 : f32
    %jit3A_29 = arith.constant 0.000000e+00 : f32
    %broadcast_in_dim3A_30 = vector.broadcast %jit3A : f32 to vector<10000x16xf32>
    %broadcast_in_dim3A_31 = vector.broadcast %jit3A_29 : f32 to vector<10000x16xf32>
    %select_n3A_32 = arith.select %eq3A_28, %broadcast_in_dim3A_30, %broadcast_in_dim3A_31 : vector<10000x16xi1>, vector<10000x16xf32>
    %dot_general3A = arith.constant dense<0.000000e+00> : vector<16x20xf32>
    %dot_general3A_33 = tpu.matmul %select_n3A_32, %max3A_24, %dot_general3A {dimension_numbers = #tpu.dot_dimension_numbers<[0], [0], [1], [1], [0, 1, 1, 1], [], []>, transpose_lhs_hint = false} : vector<10000x16xf32>, vector<10000x20xf32>, vector<16x20xf32> -> vector<16x20xf32>
    %broadcast_in_dim3A_34 = arith.constant 1.000000e+00 : f32
    %broadcast_in_dim3A_35 = vector.broadcast %broadcast_in_dim3A_34 : f32 to vector<10000x1xf32>
    %dot_general3A_36 = arith.constant dense<0.000000e+00> : vector<16x1xf32>
    %dot_general3A_37 = tpu.matmul %select_n3A_32, %broadcast_in_dim3A_35, %dot_general3A_36 {dimension_numbers = #tpu.dot_dimension_numbers<[0], [0], [1], [1], [0, 1, 1, 1], [], []>, transpose_lhs_hint = false} : vector<10000x16xf32>, vector<10000x1xf32>, vector<16x1xf32> -> vector<16x1xf32>
    %max3A_38 = arith.constant 1.000000e+00 : f32
    %max3A_39 = vector.broadcast %max3A_38 : f32 to vector<16x1xf32>
    %max3A_40 = arith.maximumf %dot_general3A_37, %max3A_39 : vector<16x1xf32>
    %div3A_41 = vector.broadcast %max3A_40 : vector<16x1xf32> to vector<16x20xf32>
    %div3A_42 = arith.divf %dot_general3A_33, %div3A_41 : vector<16x20xf32>
    %get3A_43 = arith.constant 0 : index
    %get3A_44 = arith.constant 0 : index
    %get3A_45 = vector.load %arg6[%get3A_43, %get3A_44] : memref<16x3xf32, #tpu.memory_space<vmem>>, vector<16x3xf32>
    %get3A_46 = arith.constant 0 : index
    %get3A_47 = arith.constant 0 : index
    %get3A_48 = vector.load %arg8[%get3A_46, %get3A_47] : memref<1x32xf32, #tpu.memory_space<vmem>>, vector<1x32xf32>
    %get3A_49 = arith.constant 0 : index
    %get3A_50 = arith.constant 0 : index
    %get3A_51 = vector.load %arg7[%get3A_49, %get3A_50] : memref<60x32xf32, #tpu.memory_space<vmem>>, vector<20x32xf32>
    %dot_general3A_52 = arith.constant dense<0.000000e+00> : vector<16x32xf32>
    %dot_general3A_53 = tpu.matmul %div3A_42, %get3A_51, %dot_general3A_52 {dimension_numbers = #tpu.dot_dimension_numbers<[1], [0], [0], [1], [0, 0, 1, 1], [], []>, transpose_lhs_hint = false} : vector<16x20xf32>, vector<20x32xf32>, vector<16x32xf32> -> vector<16x32xf32>
    %slice3A_54 = vector.extract_strided_slice %get3A_45 {offsets = [0, 0], sizes = [16, 1], strides = [1, 1]} : vector<16x3xf32> to vector<16x1xf32>
    %mul3A = vector.broadcast %slice3A_54 : vector<16x1xf32> to vector<16x32xf32>
    %mul3A_55 = arith.mulf %dot_general3A_53, %mul3A : vector<16x32xf32>
    %add3A_56 = vector.broadcast %get3A_48 : vector<1x32xf32> to vector<16x32xf32>
    %add3A_57 = arith.addf %add3A_56, %mul3A_55 : vector<16x32xf32>
    %get3A_58 = arith.constant 20 : index
    %get3A_59 = arith.constant 0 : index
    %get3A_60 = vector.load %arg7[%get3A_58, %get3A_59] : memref<60x32xf32, #tpu.memory_space<vmem>>, vector<20x32xf32>
    %dot_general3A_61 = arith.constant dense<0.000000e+00> : vector<16x32xf32>
    %dot_general3A_62 = tpu.matmul %div3A_42, %get3A_60, %dot_general3A_61 {dimension_numbers = #tpu.dot_dimension_numbers<[1], [0], [0], [1], [0, 0, 1, 1], [], []>, transpose_lhs_hint = false} : vector<16x20xf32>, vector<20x32xf32>, vector<16x32xf32> -> vector<16x32xf32>
    %slice3A_63 = vector.extract_strided_slice %get3A_45 {offsets = [0, 1], sizes = [16, 1], strides = [1, 1]} : vector<16x3xf32> to vector<16x1xf32>
    %mul3A_64 = vector.broadcast %slice3A_63 : vector<16x1xf32> to vector<16x32xf32>
    %mul3A_65 = arith.mulf %dot_general3A_62, %mul3A_64 : vector<16x32xf32>
    %add3A_66 = arith.addf %add3A_57, %mul3A_65 : vector<16x32xf32>
    %get3A_67 = arith.constant 40 : index
    %get3A_68 = arith.constant 0 : index
    %get3A_69 = vector.load %arg7[%get3A_67, %get3A_68] : memref<60x32xf32, #tpu.memory_space<vmem>>, vector<20x32xf32>
    %dot_general3A_70 = arith.constant dense<0.000000e+00> : vector<16x32xf32>
    %dot_general3A_71 = tpu.matmul %div3A_42, %get3A_69, %dot_general3A_70 {dimension_numbers = #tpu.dot_dimension_numbers<[1], [0], [0], [1], [0, 0, 1, 1], [], []>, transpose_lhs_hint = false} : vector<16x20xf32>, vector<20x32xf32>, vector<16x32xf32> -> vector<16x32xf32>
    %slice3A_72 = vector.extract_strided_slice %get3A_45 {offsets = [0, 2], sizes = [16, 1], strides = [1, 1]} : vector<16x3xf32> to vector<16x1xf32>
    %mul3A_73 = vector.broadcast %slice3A_72 : vector<16x1xf32> to vector<16x32xf32>
    %mul3A_74 = arith.mulf %dot_general3A_71, %mul3A_73 : vector<16x32xf32>
    %add3A_75 = arith.addf %add3A_66, %mul3A_74 : vector<16x32xf32>
    %get3A_76 = arith.constant 0 : index
    %get3A_77 = arith.constant 0 : index
    %get3A_78 = vector.load %arg9[%get3A_76, %get3A_77] : memref<1x32xf32, #tpu.memory_space<vmem>>, vector<1x32xf32>
    %get3A_79 = arith.constant 0 : index
    %get3A_80 = arith.constant 0 : index
    %get3A_81 = vector.load %arg10[%get3A_79, %get3A_80] : memref<1x32xf32, #tpu.memory_space<vmem>>, vector<1x32xf32>
    %reduce_sum3A = arith.constant dense<0.000000e+00> : vector<32xf32>
    %reduce_sum3A_82 = vector.multi_reduction <add>, %add3A_75, %reduce_sum3A [0] : vector<16x32xf32> to vector<32xf32>
    %div3A_83 = arith.constant 1.600000e+01 : f32
    %div3A_84 = vector.broadcast %div3A_83 : f32 to vector<32xf32>
    %div3A_85 = arith.divf %reduce_sum3A_82, %div3A_84 : vector<32xf32>
    %jit3A_86 = arith.constant 0 : i32
    %reduce_sum3A_87 = arith.constant dense<0.000000e+00> : vector<32xf32>
    %reduce_sum3A_88 = vector.multi_reduction <add>, %add3A_75, %reduce_sum3A_87 [0] : vector<16x32xf32> to vector<32xf32>
    %broadcast_in_dim3A_89 = vector.shape_cast %reduce_sum3A_88 : vector<32xf32> to vector<1x32xf32>
    %div3A_90 = arith.constant 1.600000e+01 : f32
    %div3A_91 = vector.broadcast %div3A_90 : f32 to vector<1x32xf32>
    %div3A_92 = arith.divf %broadcast_in_dim3A_89, %div3A_91 : vector<1x32xf32>
    %sub3A = vector.broadcast %div3A_92 : vector<1x32xf32> to vector<16x32xf32>
    %sub3A_93 = arith.subf %add3A_75, %sub3A : vector<16x32xf32>
    %square3A = arith.mulf %sub3A_93, %sub3A_93 : vector<16x32xf32>
    %convert_element_type3A = arith.sitofp %jit3A_86 : i32 to f32
    %sub3A_94 = arith.constant 1.600000e+01 : f32
    %sub3A_95 = arith.subf %sub3A_94, %convert_element_type3A : f32
    %reduce_sum3A_96 = arith.constant dense<0.000000e+00> : vector<32xf32>
    %reduce_sum3A_97 = vector.multi_reduction <add>, %square3A, %reduce_sum3A_96 [0] : vector<16x32xf32> to vector<32xf32>
    %div3A_98 = vector.broadcast %sub3A_95 : f32 to vector<32xf32>
    %div3A_99 = arith.divf %reduce_sum3A_97, %div3A_98 : vector<32xf32>
    %gt3A_100 = arith.constant 0.000000e+00 : f32
    %gt3A_101 = arith.cmpf ogt, %sub3A_95, %gt3A_100 : f32
    %jit3A_102 = arith.constant 0x7FC00000 : f32
    %broadcast_in_dim3A_103 = vector.broadcast %jit3A_102 : f32 to vector<32xf32>
    %select_n3A_104 = arith.select %gt3A_101, %div3A_99, %broadcast_in_dim3A_103 : vector<32xf32>
    %broadcast_in_dim3A_105 = vector.shape_cast %div3A_85 : vector<32xf32> to vector<1x32xf32>
    %sub3A_106 = vector.broadcast %broadcast_in_dim3A_105 : vector<1x32xf32> to vector<16x32xf32>
    %sub3A_107 = arith.subf %add3A_75, %sub3A_106 : vector<16x32xf32>
    %add3A_108 = arith.constant 9.99999974E-6 : f32
    %add3A_109 = vector.broadcast %add3A_108 : f32 to vector<32xf32>
    %add3A_110 = arith.addf %select_n3A_104, %add3A_109 : vector<32xf32>
    %sqrt3A = math.sqrt %add3A_110 : vector<32xf32>
    %broadcast_in_dim3A_111 = vector.shape_cast %sqrt3A : vector<32xf32> to vector<1x32xf32>
    %div3A_112 = vector.broadcast %broadcast_in_dim3A_111 : vector<1x32xf32> to vector<16x32xf32>
    %div3A_113 = arith.divf %sub3A_107, %div3A_112 : vector<16x32xf32>
    %mul3A_114 = vector.broadcast %get3A_78 : vector<1x32xf32> to vector<16x32xf32>
    %mul3A_115 = arith.mulf %div3A_113, %mul3A_114 : vector<16x32xf32>
    %add3A_116 = vector.broadcast %get3A_81 : vector<1x32xf32> to vector<16x32xf32>
    %add3A_117 = arith.addf %mul3A_115, %add3A_116 : vector<16x32xf32>
    %max3A_118 = arith.constant 0.000000e+00 : f32
    %max3A_119 = vector.broadcast %max3A_118 : f32 to vector<16x32xf32>
    %max3A_120 = arith.maximumf %add3A_117, %max3A_119 : vector<16x32xf32>
    %get3A_121 = arith.constant 0 : index
    %get3A_122 = arith.constant 0 : index
    %get3A_123 = vector.load %arg11[%get3A_121, %get3A_122] : memref<8x32xf32, #tpu.memory_space<vmem>>, vector<8x32xf32>
    %dot_general3A_124 = arith.constant dense<0.000000e+00> : vector<16x8xf32>
    %dot_general3A_125 = tpu.matmul %max3A_120, %get3A_123, %dot_general3A_124 {dimension_numbers = #tpu.dot_dimension_numbers<[1], [1], [0], [0], [0, 0, 1, 0], [], []>, transpose_lhs_hint = false} : vector<16x32xf32>, vector<8x32xf32>, vector<16x8xf32> -> vector<16x8xf32>
    %get3A_126 = arith.constant 0 : index
    %get3A_127 = arith.constant 0 : index
    %get3A_128 = vector.load %arg12[%get3A_126, %get3A_127] : memref<1x8xf32, #tpu.memory_space<vmem>>, vector<1x8xf32>
    %add3A_129 = vector.broadcast %get3A_128 : vector<1x8xf32> to vector<16x8xf32>
    %add3A_130 = arith.addf %dot_general3A_125, %add3A_129 : vector<16x8xf32>
    %get3A_131 = arith.constant 0 : index
    %get3A_132 = arith.constant 0 : index
    %get3A_133 = vector.load %arg13[%get3A_131, %get3A_132] : memref<1x8xf32, #tpu.memory_space<vmem>>, vector<1x8xf32>
    %get3A_134 = arith.constant 0 : index
    %get3A_135 = arith.constant 0 : index
    %get3A_136 = vector.load %arg14[%get3A_134, %get3A_135] : memref<1x8xf32, #tpu.memory_space<vmem>>, vector<1x8xf32>
    %reduce_sum3A_137 = arith.constant dense<0.000000e+00> : vector<8xf32>
    %reduce_sum3A_138 = vector.multi_reduction <add>, %add3A_130, %reduce_sum3A_137 [0] : vector<16x8xf32> to vector<8xf32>
    %div3A_139 = arith.constant 1.600000e+01 : f32
    %div3A_140 = vector.broadcast %div3A_139 : f32 to vector<8xf32>
    %div3A_141 = arith.divf %reduce_sum3A_138, %div3A_140 : vector<8xf32>
    %jit3A_142 = arith.constant 0 : i32
    %reduce_sum3A_143 = arith.constant dense<0.000000e+00> : vector<8xf32>
    %reduce_sum3A_144 = vector.multi_reduction <add>, %add3A_130, %reduce_sum3A_143 [0] : vector<16x8xf32> to vector<8xf32>
    %broadcast_in_dim3A_145 = vector.shape_cast %reduce_sum3A_144 : vector<8xf32> to vector<1x8xf32>
    %div3A_146 = arith.constant 1.600000e+01 : f32
    %div3A_147 = vector.broadcast %div3A_146 : f32 to vector<1x8xf32>
    %div3A_148 = arith.divf %broadcast_in_dim3A_145, %div3A_147 : vector<1x8xf32>
    %sub3A_149 = vector.broadcast %div3A_148 : vector<1x8xf32> to vector<16x8xf32>
    %sub3A_150 = arith.subf %add3A_130, %sub3A_149 : vector<16x8xf32>
    %square3A_151 = arith.mulf %sub3A_150, %sub3A_150 : vector<16x8xf32>
    %convert_element_type3A_152 = arith.sitofp %jit3A_142 : i32 to f32
    %sub3A_153 = arith.constant 1.600000e+01 : f32
    %sub3A_154 = arith.subf %sub3A_153, %convert_element_type3A_152 : f32
    %reduce_sum3A_155 = arith.constant dense<0.000000e+00> : vector<8xf32>
    %reduce_sum3A_156 = vector.multi_reduction <add>, %square3A_151, %reduce_sum3A_155 [0] : vector<16x8xf32> to vector<8xf32>
    %div3A_157 = vector.broadcast %sub3A_154 : f32 to vector<8xf32>
    %div3A_158 = arith.divf %reduce_sum3A_156, %div3A_157 : vector<8xf32>
    %gt3A_159 = arith.constant 0.000000e+00 : f32
    %gt3A_160 = arith.cmpf ogt, %sub3A_154, %gt3A_159 : f32
    %jit3A_161 = arith.constant 0x7FC00000 : f32
    %broadcast_in_dim3A_162 = vector.broadcast %jit3A_161 : f32 to vector<8xf32>
    %select_n3A_163 = arith.select %gt3A_160, %div3A_158, %broadcast_in_dim3A_162 : vector<8xf32>
    %broadcast_in_dim3A_164 = vector.shape_cast %div3A_141 : vector<8xf32> to vector<1x8xf32>
    %sub3A_165 = vector.broadcast %broadcast_in_dim3A_164 : vector<1x8xf32> to vector<16x8xf32>
    %sub3A_166 = arith.subf %add3A_130, %sub3A_165 : vector<16x8xf32>
    %add3A_167 = arith.constant 9.99999974E-6 : f32
    %add3A_168 = vector.broadcast %add3A_167 : f32 to vector<8xf32>
    %add3A_169 = arith.addf %select_n3A_163, %add3A_168 : vector<8xf32>
    %sqrt3A_170 = math.sqrt %add3A_169 : vector<8xf32>
    %broadcast_in_dim3A_171 = vector.shape_cast %sqrt3A_170 : vector<8xf32> to vector<1x8xf32>
    %div3A_172 = vector.broadcast %broadcast_in_dim3A_171 : vector<1x8xf32> to vector<16x8xf32>
    %div3A_173 = arith.divf %sub3A_166, %div3A_172 : vector<16x8xf32>
    %mul3A_174 = vector.broadcast %get3A_133 : vector<1x8xf32> to vector<16x8xf32>
    %mul3A_175 = arith.mulf %div3A_173, %mul3A_174 : vector<16x8xf32>
    %add3A_176 = vector.broadcast %get3A_136 : vector<1x8xf32> to vector<16x8xf32>
    %add3A_177 = arith.addf %mul3A_175, %add3A_176 : vector<16x8xf32>
    %max3A_178 = arith.constant 0.000000e+00 : f32
    %max3A_179 = vector.broadcast %max3A_178 : f32 to vector<16x8xf32>
    %max3A_180 = arith.maximumf %add3A_177, %max3A_179 : vector<16x8xf32>
    %get3A_181 = arith.constant 0 : index
    %get3A_182 = arith.constant 0 : index
    %get3A_183 = vector.load %arg15[%get3A_181, %get3A_182] : memref<8x8xf32, #tpu.memory_space<vmem>>, vector<8x8xf32>
    %dot_general3A_184 = arith.constant dense<0.000000e+00> : vector<16x8xf32>
    %dot_general3A_185 = tpu.matmul %max3A_180, %get3A_183, %dot_general3A_184 {dimension_numbers = #tpu.dot_dimension_numbers<[1], [1], [0], [0], [0, 0, 1, 0], [], []>, transpose_lhs_hint = false} : vector<16x8xf32>, vector<8x8xf32>, vector<16x8xf32> -> vector<16x8xf32>
    %get3A_186 = arith.constant 0 : index
    %get3A_187 = arith.constant 0 : index
    %get3A_188 = vector.load %arg16[%get3A_186, %get3A_187] : memref<1x8xf32, #tpu.memory_space<vmem>>, vector<1x8xf32>
    %add3A_189 = vector.broadcast %get3A_188 : vector<1x8xf32> to vector<16x8xf32>
    %add3A_190 = arith.addf %dot_general3A_185, %add3A_189 : vector<16x8xf32>
    %swap3A = arith.constant 0 : index
    %swap3A_191 = arith.constant 0 : index
    %swap3A_192 = vector.load %arg17[%swap3A, %swap3A_191] : memref<16x8xf32, #tpu.memory_space<vmem>>, vector<16x8xf32>
    tpu.vector_store %arg17[%swap3A, %swap3A_191], %add3A_190 {strides = array<i32>} : memref<16x8xf32, #tpu.memory_space<vmem>>, vector<16x8xf32>,
    return
  }
}

</mosaic_0001>

<sc_bundles>
// kernel: kernel.10.cloned.1.call-start
scs
__scs_entry_jumppad:
0x0: {  	(pc) =	sbr.rel $0x88, $3  }
0x1: {  	(tag) =	ssettag $0x0;
	lr =	simm.s32 $0x1  }
0x2: {  	[smem:$0x3F8F] =	sst lr;
	_ =	strace $0xD0000000  }
0x3: {  	_ = 	snop  }
0x4: {  	_ = 	snop  }
0x5: {  	_ = 	snop  }
0x6: {  	_ = 	snop  }
0x7: {  	_ = 	snop  }
__scs_overlays_trampoline_lowered:
0x8: {  	[smem:$0x3F9E] =	sst s0  }
0x9: {  	[smem:$0x3F9F] =	sst s1  }
0xa: {  	[smem:$0x3FA0] =	sst s2  }
0xb: {  	[smem:$0x3FA1] =	sst s3  }
0xc: {  	[smem:$0x3FA2] =	sst s4  }
0xd: {  	[smem:$0x3FA3] =	sst s5  }
0xe: {  	[smem:$0x3FA4] =	sst s6  }
0xf: {  	[smem:$0x3FA5] =	sst s7  }
0x10: {  	[smem:$0x3FA6] =	sst s8  }
0x11: {  	[smem:$0x3FA7] =	sst s9;
	s0 =	simm.s32 @!p0 $0x0  }
0x12: {  	s1 =	sld [smem:$0x3F8D];
	s0 =	simm.s32 @p0 $0x1  }
0x13: {  	[smem:$0x3FA8] =	sst s0;
	s0 =	simm.s32 @!p1 $0x0  }
0x14: {  	s2 =	sld [smem:$0x3F8C];
	s0 =	simm.s32 @p1 $0x1  }
0x15: {  	[smem:$0x3FA9] =	sst s0;
	s0 =	simm.s32 @!p2 $0x0  }
0x16: {  	s3 =	sld [smem:$0x3FDB];
	s0 =	simm.s32 @p2 $0x1  }
0x17: {  	s4 =	simm.s32 $0x1BF5;
	[smem:$0x3FAB] =	sst s0  }
0x18: {  	s0 =	sld [smem:$0x3F8E];
	_ =	swait.ge [sflag:s4], $0x0  }
0x19: {  	s7 =	sld [smem:$0x3F8F]  }
0x1a: {  	s8 =	sadd.s32 $0xFFFFE003, lr  }
0x1b: {  	s9 =	sadd.s32 $0xFFFFFEF7, lr;
	s5 =	simm.s32 $0xFFFFFFFF;
	p2 =	slt.u32 s8, $0xFFFFF086  }
0x1c: {  	p1 =	slt.u32 s9, $0xF7A;
	s5 =	simm.s32 @!p2 $0x0  }
0x1d: {  	s5 =	simm.s32 @p1 $0x1;
	p0 =	seq.s32 s7, s2  }
0x1e: {  	s7 =	smul.u32 @!p0 $0xF7A, s2;
	p2 =	seq.s32 @!p0 s5, $0x0  }
0x1f: {  	s9 =	smul.u32 $0xF7A, s1;
	s8 =	simm.s32 @!p0 $0x1BF5;
	p2 =	por !p2, p0  }
0x20: {  	[sflag:s8] =	ssyncset.s32 @!p0 $0xFFFFF086;
	s6 =	sadd.s32 @!p0 s3, s7;
	s7 =	simm.s32 @!p0 $0x108  }
0x21: {  	s3 =	sadd.s32 s3, s9;
	s6 =	sadd.s32 @!p0 $0x88, s6;
	s7 =	simm.s32 @p2 $0x1082  }
0x22: {  	[simem:s7], [sflag:s8] =	dma.local @!p0 [hbm:s6], $0xF7A  }
0x23: {  	s9 =	sor.u32 $0xD0000000, s2;
	s6 =	simm.s32 $0x108;
	_ =	swait.ge @!p0 [sflag:s8], $0x0  }
0x24: {  	s3 =	sadd.s32 $0x88, s3;
	s6 =	simm.s32 @!p1 $0x1082;
	[sflag:s4] =	ssyncset.s32 $0xFFFFF086  }
0x25: {  	[simem:s6], [sflag:s4] =	dma.local [hbm:s3], $0xF7A  }
0x26: {  	[smem:$0x3F8F] =	sst s1;
	(tag) =	ssettag s2;
	_ =	strace s9  }
0x27: {  	s1 =	sld [smem:$0x3F9F]  }
0x28: {  	s2 =	sld [smem:$0x3FA0]  }
0x29: {  	s4 =	sld [smem:$0x3FA2]  }
0x2a: {  	p0 =	seq.s32 s5, $0x0;
	s5 =	sld [smem:$0x3FA3]  }
0x2b: {  	s6 =	sld [smem:$0x3FA4]  }
0x2c: {  	s7 =	sld [smem:$0x3FA5]  }
0x2d: {  	s3 =	simm.s32 $0x108;
	s8 =	sld [smem:$0x3FA6]  }
0x2e: {  	s3 =	simm.s32 @!p0 $0x1082;
	s9 =	sld [smem:$0x3FA7]  }
0x2f: {  	lr =	sadd.s32 s0, s3;
	s0 =	sld [smem:$0x3F9E]  }
0x30: {  	s3 =	sld [smem:$0x3FA1]  }
0x31: {  	[smem:$0x3FAA] =	sst s10  }
0x32: {  	s10 =	sld [smem:$0x3FA8];
	_ =	sdelay $0x3  }
0x33: {  	p0 =	seq.s32 s10, $0x1;
	s10 =	sld [smem:$0x3FAA];
	_ =	sdelay $0x3  }
0x34: {  	[smem:$0x3FAA] =	sst s10  }
0x35: {  	s10 =	sld [smem:$0x3FA9];
	_ =	sdelay $0x3  }
0x36: {  	p1 =	seq.s32 s10, $0x1;
	s10 =	sld [smem:$0x3FAA];
	_ =	sdelay $0x3  }
0x37: {  	[smem:$0x3FAA] =	sst s10  }
0x38: {  	s10 =	sld [smem:$0x3FAB]  }
0x39: {  	_ = 	snop;
	(pc) =	sbr.ind lr, $3  }
0x3a: {  	_ = 	snop  }
0x3b: {  	_ = 	snop  }
0x3c: {  	p2 =	seq.s32 s10, $0x1;
	s10 =	sld [smem:$0x3FAA]  }
0x3d: {  	_ =	shalt  }
0x3e: {  	_ =	shalt  }
0x3f: {  	_ =	shalt  }
0x40: {  	_ =	shalt  }
0x41: {  	_ =	shalt  }
0x42: {  	_ =	shalt  }
0x43: {  	_ =	shalt  }
0x44: {  	_ =	shalt  }
0x45: {  	_ =	shalt  }
0x46: {  	_ =	shalt  }
0x47: {  	_ =	shalt  }
0x48: {  	_ =	shalt  }
0x49: {  	_ =	shalt  }
0x4a: {  	_ =	shalt  }
0x4b: {  	_ =	shalt  }
0x4c: {  	_ =	shalt  }
0x4d: {  	_ =	shalt  }
0x4e: {  	_ =	shalt  }
0x4f: {  	_ =	shalt  }
0x50: {  	_ =	shalt  }
0x51: {  	_ =	shalt  }
0x52: {  	_ =	shalt  }
0x53: {  	_ =	shalt  }
0x54: {  	_ =	shalt  }
0x55: {  	_ =	shalt  }
0x56: {  	_ =	shalt  }
0x57: {  	_ =	shalt  }
0x58: {  	_ =	shalt  }
0x59: {  	_ =	shalt  }
0x5a: {  	_ =	shalt  }
0x5b: {  	_ =	shalt  }
0x5c: {  	_ =	shalt  }
0x5d: {  	_ =	shalt  }
0x5e: {  	_ =	shalt  }
0x5f: {  	_ =	shalt  }
0x60: {  	_ =	shalt  }
0x61: {  	_ =	shalt  }
0x62: {  	_ =	shalt  }
0x63: {  	_ =	shalt  }
0x64: {  	_ =	shalt  }
0x65: {  	_ =	shalt  }
0x66: {  	_ =	shalt  }
0x67: {  	_ =	shalt  }
0x68: {  	_ =	shalt  }
0x69: {  	_ =	shalt  }
0x6a: {  	_ =	shalt  }
0x6b: {  	_ =	shalt  }
0x6c: {  	_ =	shalt  }
0x6d: {  	_ =	shalt  }
0x6e: {  	_ =	shalt  }
0x6f: {  	_ =	shalt  }
0x70: {  	_ =	shalt  }
0x71: {  	_ =	shalt  }
0x72: {  	_ =	shalt  }
0x73: {  	_ =	shalt  }
0x74: {  	_ =	shalt  }
0x75: {  	_ =	shalt  }
0x76: {  	_ =	shalt  }
0x77: {  	_ =	shalt  }
0x78: {  	_ =	shalt  }
0x79: {  	_ =	shalt  }
0x7a: {  	_ =	shalt  }
0x7b: {  	_ =	shalt  }
0x7c: {  	_ =	shalt  }
0x7d: {  	_ =	shalt  }
0x7e: {  	_ =	shalt  }
0x7f: {  	_ =	shalt  }
0x80: {  	_ =	shalt  }
0x81: {  	_ =	shalt  }
0x82: {  	_ =	shalt  }
0x83: {  	_ =	shalt  }
0x84: {  	_ =	shalt  }
0x85: {  	_ =	shalt  }
0x86: {  	_ =	shalt  }
0x87: {  	_ =	shalt  }
.Lfunc_end0:
.L_simem_size_0:
called_computation.1_lowered:
.L_overlay_start_0:
0x88: {  	s2 =	sld [smem:$0x3FD9]  }
0x89: {  	s3 =	sld [smem:$0x3FFE];
	_ =	sdelay $0x1  }
0x8a: {  	s1 =	srdreg.scid  }
0x8b: {  	s0 =	sand.u32 $0x1, s1  }
0x8c: {  	s16 =	sshll.u32 s0, $0xA;
	s2 =	sadd.s32 s3, s2  }
0x8d: {  	s2 =	sadd.s32 s2, s16  }
0x8e: {  	[smem:$0x3FB6] =	sst s2  }
0x8f: {  	_ = 	snop  }
0x90: {  	(tm) =	ssettm $0x1  }
0x91: {  	s17 =	sld [smem:$0x3FFB];
	_ =	sdelay $0x3  }
0x92: {  	_ =	strace s17  }
0x93: {  	s2 =	sld [smem:$0x3FFC];
	_ =	sdelay $0x3  }
0x94: {  	_ =	strace s2  }
0x95: {  	s2 =	sld [smem:$0x3FFD];
	_ =	sdelay $0x3  }
0x96: {  	_ =	strace s2  }
0x97: {  	_ =	strace $0x8FFFFFFF  }
0x98: {  	s18 =	sld [smem:$0x3FDB];
	_ =	sdelay $0x1  }
0x99: {  	s19 =	simm.s32 $_scs_section_size  }
0x9a: {  	s4 =	simm.s32 $_size__tile_overlayer_lowered;
	s5 =	simm.s32 $_tile_overlayer_lowered  }
0x9b: {  	s22 =	simm.s32 $0x1BFF;
	s21 =	sshll.u32 s5, $0x1;
	s2 =	sadd.s32 s19, s18  }
0x9c: {  	s6 =	simm.s32 $0x0;
	s20 =	sshll.u32 s4, $0x1;
	s4 =	sadd.s32 s21, s2  }
0x9d: {  	[timem:s6], [sflag:s22] =	dma.local [hbm:s4], s20  }
0x9e: {  	_ =	swait.ge [sflag:s22], s20  }
0x9f: {  	s3 =	ssub.s32 $0x0, s20;
	[sflag:s22] =	ssyncset.done $0x0  }
0xa0: {  	[sflag:s22] =	ssyncadd.s32 s3;
	_ =	sdelay $0x1  }
0xa1: {  	s23 =	simm.s32 $0x1B8B  }
0xa2: {  	_ =	swait.ge [sflag:s23], $0x1  }
0xa3: {  	[sflag:s23] =	ssyncset.done $0x0  }
0xa4: {  	s25 =	simm.s32 $0x1B8E;
	s24 =	sld [smem:$0x3FFE];
	[sflag:s23] =	ssyncadd.s32 $0xFFFFFFFF  }
0xa5: {  	s26 =	simm.s32 $execute0_lowered;
	[smem:$0x3FD2] =	sst s25  }
0xa6: {  	s4 =	sshll.u32 s26, $0x1;
	_ =	strace $0x80000049;
	[dreg:$0x1] =	wrdreg $0xFFFFFFFF  }
0xa7: {  	s28 =	simm.s32 $_size_execute0_lowered;
	s2 =	sadd.s32 s2, s4;
	[dreg:$0x0] =	wrdreg $0x0  }
0xa8: {  	s4 =	sshll.u32 s28, $0x1;
	[dreg:$0x2] =	wrdreg s2  }
0xa9: {  	[dreg:$0x3] =	wrdreg s4  }
0xaa: {  	[dreg:$0x4] =	wrdreg $0xC0  }
0xab: {  	_ =	task [dreg:s6], $0x5FFFF  }
0xac: {  	[dreg:$0x1] =	wrdreg $0xFFFFFFFF  }
0xad: {  	[dreg:$0x0] =	wrdreg $0x60  }
0xae: {  	[dreg:$0x2] =	wrdreg s24  }
0xaf: {  	[dreg:$0x3] =	wrdreg $0x9F000  }
0xb0: {  	[dreg:$0x4] =	wrdreg $0x9  }
0xb1: {  	_ =	task.clear_ibuf [dreg:s6], $0x5FFFF;
	_ =	strace $0x90000049  }
0xb2: {  	s29 =	simm.s32 $0x9;
	_ =	strace $0x8000004B  }
0xb3: {  	_ =	swait.ge [sflag:s29], $0x1  }
0xb4: {  	[sflag:s29] =	ssyncadd.s32 $0xFFFFFFFF  }
0xb5: {  	_ =	strace $0x9000004B  }
0xb6: {  	_ =	sfence  }
0xb7: {  	s30 =	sld [smem:$0x0];
	_ =	sdelay $0x2  }
0xb8: {  	s31 =	sshll.u32 s1, $0xD;
	s1 =	sshrl.u32 s1, $0x2  }
0xb9: {  	s3 =	sand.u32 $0x4000, s31;
	s1 =	sadd.s32 s1, s30  }
0xba: {  	s0 =	sor.u32 s3, s0;
	s1 =	sshll.u32 s1, $0x11  }
0xbb: {  	s0 =	sor.u32 s1, s0  }
0xbc: {  	s0 =	sadd.s32 $0x8F2B, s0  }
0xbd: {  	[sflag:s0] =	ssyncadd.remote.s32 $0x1  }
0xbe: {  	_ =	sfence.sel $0xFFFF  }
0xbf: {  	[dreg:$0x0] =	wrdreg $0xFFFFFFFF;
	(pc) =	sbr.abs _section_cstart, $3  }
0xc0: {  	[dreg:$0x1] =	wrdreg $0xFFFFFFFF  }
0xc1: {  	_ =	task.clear_ibuf [dreg:s6], $0x2FFFF;
	_ =	strace $0x9FFFFFFF  }
0xc2: {  	(tm) =	ssettm $0x7FFFFFFF  }
0xc3: {  	_ =	shalt  }
tec
execute0_lowered:
.L_overlay_start_1:
0x0: {  	(tag) =	ssettag $0x1  }
0x1: {  	s9 =	rddreg [dreg:$0x0]  }
0x2: {  	s0 =	srdreg.scid;
	s2 =	rddreg [dreg:$0x1];
	s3 =	simm.s32 $0x0  }
0x3: {  	s14 =	simm.s32 $0x2780;
	s18 =	simm.s32 $0x1;
	s19 =	simm.s32 $0x2  }
0x4: {  	s20 =	simm.s32 $0x50;
	s21 =	simm.s32 $0x4F00;
	s22 =	simm.s32 $0x7700  }
0x5: {  	s23 =	simm.s32 $0x3;
	s24 =	simm.s32 $0x4E40;
	s25 =	simm.s32 $0x0  }
0x6: {  	s6 =	sand.u32 $0x1, s0;
	s0 =	stileid.u32;
	[smem:$0x7FF] =	sst s3  }
0x7: {  	s5 =	sadd.s32 $0x17000, s9;
	s15 =	sadd.s32 $0x128400, s2;
	s1 =	sshll.u32 s6, $0x4  }
0x8: {  	s29 =	sshll.u32 s0, $0x7;
	s30 =	smul.u32 $0x27100, s6;
	s6 =	ssub.s32 $0x2, s6  }
0x9: {  	s10 =	smul.u32 $0x4F000, s0;
	p0 =	seq.s32 s0, $0xF;
	s4 =	sor.u32 s0, s1  }
0xa: {  	s1 =	rddreg [dreg:$0x2];
	_ =	strace $0x8000004A;
	s8 =	sand.u32 $0x380, s29  }
0xb: {  	s12 =	sshrl.u32 s6, $0x1;
	s16 =	sshll.u32 @!p0 s0, $0x6;
	s4 =	sshrl.u32 s4, $0x3  }
0xc: {  	s15 =	sshrl.u32 @p0 s15, $0x3;
	s13 =	sadd.s32 s30, s9;
	s7 =	smul.u32 $0x13C00, s4  }
0xd: {  	s12 =	ssub.s32 s6, s12;
	s31 =	sshrl.u32 s10, $0x2;
	s4 =	smul.u32 $0x2780, s0  }
0xe: {  	s16 =	sor.u32 @!p0 $0x1C03, s16;
	s17 =	sadd.s32 s31, s2;
	s10 =	sadd.s32 $0x65400, s13  }
0xf: {  	s13 =	simm.s32 $0x400;
	s7 =	sor.u32 s8, s7;
	s11 =	sadd.s32 s4, s9  }
0x10: {  	s17 =	sshrl.u32 @!p0 s17, $0x3;
	s7 =	sshrl.u32 s7, $0x3;
	s8 =	sadd.s32 $0x3E200, s11  }
0x11: {  	s11 =	smax.u32 s12, $0x1;
	s12 =	simm.s32 $0x80;
	s7 =	sadd.s32 s7, s9  }
0x12: {  	s9 =	sadd.s32 $0x63280, s9;
	s6 =	sadd.s32 $0x3400, s7;
	s7 =	sadd.s32 $0xD200, s7  }
.LBB2_1:
0x13: {  	[tilespmem:s3], [sflag:$0x1] =	stream.strided.gather [hbm4b:s6+s12], $0x2780, s13, s12, $0x38;
	[tilespmem:$0x1D780] =	vst v63  }
0x14: {  	s26 =	simm.s32 @p0 $0x1FC3  }
0x15: {  	[tilespmem:s14], [sflag:$0x2] =	stream.strided.gather [hbm4b:s7+s12], $0x2780, s13, s12, $0x38;
	[tilespmem:$0x1D780] =	vst v63  }
0x16: {  	[spmem:s15], [sflag:s26] =	dma.local @p0 [hbm:s9], $0x2080  }
0x17: {  	s26 =	simm.s32 @p0 $0x3  }
0x18: {  	_ =	swait.ge @p0 [sflag:s26], $0x2080  }
0x19: {  	[sflag:s26] =	ssyncset.done @p0 $0x0  }
0x1a: {  	[sflag:s26] =	ssyncadd.s32 @p0 $0xFFFFDF80;
	s26 =	simm.s32 @!p0 $0x3  }
0x1b: {  	[spmem:s17], [sflag:s16] =	dma.local @!p0 [hbm:s8], $0x2780  }
0x1c: {  	_ =	swait.ge @!p0 [sflag:s26], $0x2780  }
0x1d: {  	[sflag:s26] =	ssyncset.done @!p0 $0x0  }
0x1e: {  	[sflag:s26] =	ssyncadd.s32 @!p0 $0xFFFFD880  }
0x1f: {  	_ =	swait.ge [sflag:s18], $0x2780  }
0x20: {  	[sflag:s18] =	ssyncset.done $0x0  }
0x21: {  	[sflag:s18] =	ssyncadd.s32 $0xFFFFD880  }
0x22: {  	_ =	swait.ge [sflag:s19], $0x2780  }
0x23: {  	[sflag:s19] =	ssyncset.done $0x0  }
0x24: {  	[sflag:s19] =	ssyncadd.s32 $0xFFFFD880  }
0x25: {  	[tilespmem:s21], [sflag:$0x1] =	stream.indirect.gather [hbm4b:s5+s20], $0x80, s3, s20, $0xb8;
	[tilespmem:$0x1D780] =	vst v63  }
0x26: {  	s29 =	simm.s32 $0x50;
	[bflag:$0x0] =	sbarrier.arrive $0xFFFF  }
0x27: {  	[tilespmem:s22], [sflag:$0x2] =	stream.indirect.gather [hbm4b:s5+s20], $0x80, s29, s20, $0xb8;
	[tilespmem:$0x1D780] =	vst v63  }
0x28: {  	_ =	swait.ge [sflag:s18], $0x2800  }
0x29: {  	[sflag:s18] =	ssyncset.done $0x0  }
0x2a: {  	s31 =	simm.s32 $0x2780;
	[sflag:s18] =	ssyncadd.s32 $0xFFFFD800  }
0x2b: {  	[spmem:s2] =	stream.indirect.scatter.add.f32 [tilespmem:s21], [sflag:$0x3], $0x80, s31, s20, $0xb8;
	[tilespmem:$0x1D780] =	vst v63  }
0x2c: {  	_ =	swait.ge [sflag:s23], $0x2800  }
0x2d: {  	[sflag:s23] =	ssyncset.done $0x0  }
0x2e: {  	s28 =	simm.s32 $0xA0;
	[sflag:s23] =	ssyncadd.s32 $0xFFFFD800  }
0x2f: {  	[tilespmem:s21], [sflag:$0x1] =	stream.indirect.gather [hbm4b:s5+s20], $0x80, s28, s20, $0xb8;
	[tilespmem:$0x1D780] =	vst v63  }
0x30: {  	_ =	swait.ge [sflag:s19], $0x2800  }
0x31: {  	[sflag:s19] =	ssyncset.done $0x0  }
0x32: {  	s29 =	simm.s32 $0x27D0;
	[sflag:s19] =	ssyncadd.s32 $0xFFFFD800  }
0x33: {  	[spmem:s2] =	stream.indirect.scatter.add.f32 [tilespmem:s22], [sflag:$0x3], $0x80, s29, s20, $0xb8;
	[tilespmem:$0x1D780] =	vst v63  }
0x34: {  	_ =	swait.ge [sflag:s23], $0x2800  }
0x35: {  	[sflag:s23] =	ssyncset.done $0x0  }
0x36: {  	s31 =	simm.s32 $0xF0;
	[sflag:s23] =	ssyncadd.s32 $0xFFFFD800  }
0x37: {  	[tilespmem:s22], [sflag:$0x2] =	stream.indirect.gather [hbm4b:s5+s20], $0x80, s31, s20, $0xb8;
	[tilespmem:$0x1D780] =	vst v63  }
0x38: {  	_ =	swait.ge [sflag:s18], $0x2800  }
0x39: {  	[sflag:s18] =	ssyncset.done $0x0  }
0x3a: {  	s28 =	simm.s32 $0x2820;
	[sflag:s18] =	ssyncadd.s32 $0xFFFFD800  }
0x3b: {  	[spmem:s2] =	stream.indirect.scatter.add.f32 [tilespmem:s21], [sflag:$0x3], $0x80, s28, s20, $0xb8;
	[tilespmem:$0x1D780] =	vst v63  }
0x3c: {  	_ =	swait.ge [sflag:s23], $0x2800  }
0x3d: {  	[sflag:s23] =	ssyncset.done $0x0  }
0x3e: {  	s29 =	simm.s32 $0x140;
	[sflag:s23] =	ssyncadd.s32 $0xFFFFD800  }
0x3f: {  	[tilespmem:s21], [sflag:$0x1] =	stream.indirect.gather [hbm4b:s5+s20], $0x80, s29, s20, $0xb8;
	[tilespmem:$0x1D780] =	vst v63  }
0x40: {  	_ =	swait.ge [sflag:s19], $0x2800  }
0x41: {  	[sflag:s19] =	ssyncset.done $0x0  }
0x42: {  	s31 =	simm.s32 $0x2870;
	[sflag:s19] =	ssyncadd.s32 $0xFFFFD800  }
0x43: {  	[spmem:s2] =	stream.indirect.scatter.add.f32 [tilespmem:s22], [sflag:$0x3], $0x80, s31, s20, $0xb8;
	[tilespmem:$0x1D780] =	vst v63  }
0x44: {  	_ =	swait.ge [sflag:s23], $0x2800  }
0x45: {  	s30 =	simm.s32 $0xA00;
	s26 =	simm.s32 $0x140;
	[sflag:s23] =	ssyncset.done $0x0  }
.LBB2_2:
0x46: {  	s31 =	sadd.s32 $0x50, s26  }
0x47: {  	[sflag:s23] =	ssyncadd.s32 $0xFFFFD800;
	s29 =	smov.u32 s30;
	s28 =	sadd.s32 $0x500, s30  }
0x48: {  	[tilespmem:s22], [sflag:$0x2] =	stream.indirect.gather [hbm4b:s5+s20], $0x80, s31, s20, $0xb8;
	[tilespmem:$0x1D780] =	vst v63  }
0x49: {  	p1 =	sne.s32 s30, $0x9600;
	_ =	swait.ge [sflag:s18], $0x2800  }
0x4a: {  	[sflag:s18] =	ssyncset.done $0x0  }
0x4b: {  	s30 =	sadd.s32 $0x2780, s26;
	[sflag:s18] =	ssyncadd.s32 $0xFFFFD800  }
0x4c: {  	[spmem:s2] =	stream.indirect.scatter.add.f32 [tilespmem:s21], [sflag:$0x3], $0x80, s30, s20, $0xb8;
	[tilespmem:$0x1D780] =	vst v63  }
0x4d: {  	_ =	swait.ge [sflag:s23], $0x2800  }
0x4e: {  	[sflag:s23] =	ssyncset.done $0x0  }
0x4f: {  	s30 =	sadd.s32 $0xA0, s26;
	[sflag:s23] =	ssyncadd.s32 $0xFFFFD800  }
0x50: {  	[tilespmem:s21], [sflag:$0x1] =	stream.indirect.gather [hbm4b:s5+s20], $0x80, s30, s20, $0xb8;
	[tilespmem:$0x1D780] =	vst v63  }
0x51: {  	_ =	swait.ge [sflag:s19], $0x2800  }
0x52: {  	[sflag:s19] =	ssyncset.done $0x0  }
0x53: {  	s30 =	sadd.s32 $0x27D0, s26;
	[sflag:s19] =	ssyncadd.s32 $0xFFFFD800  }
0x54: {  	[spmem:s2] =	stream.indirect.scatter.add.f32 [tilespmem:s22], [sflag:$0x3], $0x80, s30, s20, $0xb8;
	[tilespmem:$0x1D780] =	vst v63  }
0x55: {  	_ =	swait.ge [sflag:s23], $0x2800  }
0x56: {  	[sflag:s23] =	ssyncset.done $0x0  }
0x57: {  	s30 =	sadd.s32 $0xF0, s26;
	[sflag:s23] =	ssyncadd.s32 $0xFFFFD800  }
0x58: {  	[tilespmem:s22], [sflag:$0x2] =	stream.indirect.gather [hbm4b:s5+s20], $0x80, s30, s20, $0xb8;
	[tilespmem:$0x1D780] =	vst v63  }
0x59: {  	_ =	swait.ge [sflag:s18], $0x2800  }
0x5a: {  	[sflag:s18] =	ssyncset.done $0x0  }
0x5b: {  	s30 =	sadd.s32 $0x2820, s26;
	[sflag:s18] =	ssyncadd.s32 $0xFFFFD800  }
0x5c: {  	[spmem:s2] =	stream.indirect.scatter.add.f32 [tilespmem:s21], [sflag:$0x3], $0x80, s30, s20, $0xb8;
	[tilespmem:$0x1D780] =	vst v63  }
0x5d: {  	_ =	swait.ge [sflag:s23], $0x2800  }
0x5e: {  	[sflag:s23] =	ssyncset.done $0x0  }
0x5f: {  	s30 =	sadd.s32 $0x140, s26;
	[sflag:s23] =	ssyncadd.s32 $0xFFFFD800  }
0x60: {  	[tilespmem:s21], [sflag:$0x1] =	stream.indirect.gather [hbm4b:s5+s20], $0x80, s30, s20, $0xb8;
	[tilespmem:$0x1D780] =	vst v63  }
0x61: {  	_ =	swait.ge [sflag:s19], $0x2800  }
.Ltmp0:
0x62: {  	[sflag:s19] =	ssyncset.done $0x0;
	(pc) =	sbr.rel @p1 .LBB2_2-.Ltmp0, $4  }
0x63: {  	s26 =	sadd.s32 $0x2870, s26;
	[sflag:s19] =	ssyncadd.s32 $0xFFFFD800  }
0x64: {  	[spmem:s2] =	stream.indirect.scatter.add.f32 [tilespmem:s22], [sflag:$0x3], $0x80, s26, s20, $0xb8;
	[tilespmem:$0x1D780] =	vst v63  }
0x65: {  	_ =	swait.ge [sflag:s23], $0x2800  }
0x66: {  	s30 =	smov.u32 s28;
	s26 =	sshra.s32 s29, $0x2;
	[sflag:s23] =	ssyncset.done $0x0  }
0x67: {  	s28 =	sadd.s32 $0x50, s26;
	[sflag:s23] =	ssyncadd.s32 $0xFFFFD800  }
0x68: {  	[tilespmem:s22], [sflag:$0x2] =	stream.indirect.gather [hbm4b:s5+s20], $0x80, s28, s20, $0xb8;
	[tilespmem:$0x1D780] =	vst v63  }
0x69: {  	_ =	swait.ge [sflag:s18], $0x2800  }
0x6a: {  	[sflag:s18] =	ssyncset.done $0x0  }
0x6b: {  	s31 =	sadd.s32 $0x2780, s26;
	[sflag:s18] =	ssyncadd.s32 $0xFFFFD800  }
0x6c: {  	[spmem:s2] =	stream.indirect.scatter.add.f32 [tilespmem:s21], [sflag:$0x3], $0x80, s31, s20, $0xb8;
	[tilespmem:$0x1D780] =	vst v63  }
0x6d: {  	_ =	swait.ge [sflag:s23], $0x2800  }
0x6e: {  	[sflag:s23] =	ssyncset.done $0x0  }
0x6f: {  	s29 =	sadd.s32 $0xA0, s26;
	[sflag:s23] =	ssyncadd.s32 $0xFFFFD800  }
0x70: {  	[tilespmem:s21], [sflag:$0x1] =	stream.indirect.gather [hbm4b:s5+s20], $0x80, s29, s20, $0xb8;
	[tilespmem:$0x1D780] =	vst v63  }
0x71: {  	_ =	swait.ge [sflag:s19], $0x2800  }
0x72: {  	[sflag:s19] =	ssyncset.done $0x0  }
0x73: {  	s30 =	sadd.s32 $0x27D0, s26;
	[sflag:s19] =	ssyncadd.s32 $0xFFFFD800  }
0x74: {  	[spmem:s2] =	stream.indirect.scatter.add.f32 [tilespmem:s22], [sflag:$0x3], $0x80, s30, s20, $0xb8;
	[tilespmem:$0x1D780] =	vst v63  }
0x75: {  	_ =	swait.ge [sflag:s23], $0x2800  }
0x76: {  	[sflag:s23] =	ssyncset.done $0x0  }
0x77: {  	s31 =	sadd.s32 $0xF0, s26;
	[sflag:s23] =	ssyncadd.s32 $0xFFFFD800  }
0x78: {  	[tilespmem:s22], [sflag:$0x2] =	stream.indirect.gather [hbm4b:s5+s20], $0x80, s31, s20, $0xb8;
	[tilespmem:$0x1D780] =	vst v63  }
0x79: {  	_ =	swait.ge [sflag:s18], $0x2800  }
0x7a: {  	[sflag:s18] =	ssyncset.done $0x0  }
0x7b: {  	s29 =	sadd.s32 $0x2820, s26;
	[sflag:s18] =	ssyncadd.s32 $0xFFFFD800  }
0x7c: {  	[spmem:s2] =	stream.indirect.scatter.add.f32 [tilespmem:s21], [sflag:$0x3], $0x80, s29, s20, $0xb8;
	[tilespmem:$0x1D780] =	vst v63  }
0x7d: {  	_ =	swait.ge [sflag:s23], $0x2800  }
0x7e: {  	[sflag:s23] =	ssyncset.done $0x0  }
0x7f: {  	s30 =	sadd.s32 $0x140, s26;
	[sflag:s23] =	ssyncadd.s32 $0xFFFFD800  }
0x80: {  	[tilespmem:s21], [sflag:$0x1] =	stream.indirect.gather [hbm4b:s5+s20], $0x80, s30, s20, $0xb8;
	[tilespmem:$0x1D780] =	vst v63  }
0x81: {  	_ =	swait.ge [sflag:s19], $0x2800  }
0x82: {  	[sflag:s19] =	ssyncset.done $0x0  }
0x83: {  	s31 =	sadd.s32 $0x2870, s26;
	[sflag:s19] =	ssyncadd.s32 $0xFFFFD800  }
0x84: {  	[spmem:s2] =	stream.indirect.scatter.add.f32 [tilespmem:s22], [sflag:$0x3], $0x80, s31, s20, $0xb8;
	[tilespmem:$0x1D780] =	vst v63  }
0x85: {  	_ =	swait.ge [sflag:s23], $0x2800  }
0x86: {  	[sflag:s23] =	ssyncset.done $0x0  }
0x87: {  	[sflag:s23] =	ssyncadd.s32 $0xFFFFD800  }
0x88: {  	_ =	swait.ge [sflag:s18], $0x2800  }
0x89: {  	[sflag:s18] =	ssyncset.done $0x0  }
0x8a: {  	[sflag:s18] =	ssyncadd.s32 $0xFFFFD800  }
0x8b: {  	[spmem:s2] =	stream.indirect.scatter.add.f32 [tilespmem:s21], [sflag:$0x3], $0x80, s24, s20, $0xb8;
	[tilespmem:$0x1D780] =	vst v63  }
0x8c: {  	_ =	swait.ge [sflag:s23], $0x2800  }
0x8d: {  	[sflag:s23] =	ssyncset.done $0x0  }
0x8e: {  	[sflag:s23] =	ssyncadd.s32 $0xFFFFD800  }
0x8f: {  	s28 =	simm.s32 @p0 $0x1FC3;
	s26 =	sadd.s32 @p0 $0x25080, s10;
	[bflag:$0x0] =	sbarrier.arrive $0xFFFF  }
0x90: {  	[hbm:s26], [sflag:s28] =	dma.local @p0 [spmem:s15], $0x2080  }
0x91: {  	s26 =	simm.s32 @p0 $0x3  }
0x92: {  	_ =	swait.ge @p0 [sflag:s26], $0x2080  }
0x93: {  	s25 =	sadd.s32 $0x1, s25;
	[sflag:s26] =	ssyncset.done @p0 $0x0  }
0x94: {  	p1 =	sne.s32 s25, s11;
	[sflag:s26] =	ssyncadd.s32 @p0 $0xFFFFDF80;
	s26 =	sadd.s32 @!p0 s4, s10  }
0x95: {  	[hbm:s26], [sflag:s16] =	dma.local @!p0 [spmem:s17], $0x2780  }
.Ltmp1:
0x96: {  	_ = 	snop;
	(pc) =	sbr.rel @p1 .LBB2_1-.Ltmp1, $4  }
0x97: {  	s26 =	simm.s32 @!p0 $0x3  }
0x98: {  	_ =	swait.ge @!p0 [sflag:s26], $0x2780  }
0x99: {  	[sflag:s26] =	ssyncset.done @!p0 $0x0  }
0x9a: {  	[sflag:s26] =	ssyncadd.s32 @!p0 $0xFFFFD880  }
0x9b: {  	_ =	sfence.sel $0x180000  }
0x9c: {  	[bflag:$0x0] =	sbarrier.arrive $0xFFFF  }
0x9d: {  	p0 =	sne.s32 s0, $0x0;
	_ =	strace $0x9000004A  }
0x9e: {  	s0 =	sadd.s32 @!p0 $0x100000, s1;
	[bflag:$0x2] =	sbarrier.arrive $0xFFFF  }
0x9f: {  	[sflag:s0] =	ssyncadd.tile.s32 @!p0 $0x1;
	_ =	shalt  }
.Lfunc_end2:
_tile_overlayer_lowered:
.L_overlay_start_2:
0xa0: {  	(tag) =	ssettag $0x2  }
0xa1: {  	s0 =	rddreg [dreg:$0x0];
	s2 =	stileid.u32  }
0xa2: {  	s1 =	rddreg [dreg:$0x1];
	p0 =	sne.s32 s2, $0x0  }
0xa3: {  	s3 =	rddreg [dreg:$0x2];
	[bflag:$0x3] =	sbarrier.arrive $0xFFFF;
	s2 =	simm.s32 @!p0 $0x1C03  }
0xa4: {  	[timem:s3], [sflag:s2] =	dma.local @!p0 [hbm:s0], s1  }
0xa5: {  	s0 =	simm.s32 @!p0 $0x3  }
0xa6: {  	_ =	swait.ge @!p0 [sflag:s0], s1  }
0xa7: {  	s1 =	ssub.s32 @!p0 $0x0, s1;
	[sflag:s0] =	ssyncset.done @!p0 $0x0  }
0xa8: {  	[sflag:s0] =	ssyncadd.s32 @!p0 s1  }
0xa9: {  	[bflag:$0x3] =	sbarrier.arrive $0xFFFF  }
0xaa: {  	_ =	shalt  }

// kernel: kernel.7.cloned.1.call-start
scs
__scs_entry_jumppad:
0x0: {  	(pc) =	sbr.rel $0x88, $3  }
0x1: {  	(tag) =	ssettag $0x0;
	lr =	simm.s32 $0x1  }
0x2: {  	[smem:$0x3F8F] =	sst lr;
	_ =	strace $0xD0000000  }
0x3: {  	_ = 	snop  }
0x4: {  	_ = 	snop  }
0x5: {  	_ = 	snop  }
0x6: {  	_ = 	snop  }
0x7: {  	_ = 	snop  }
__scs_overlays_trampoline_lowered:
0x8: {  	[smem:$0x3F9E] =	sst s0  }
0x9: {  	[smem:$0x3F9F] =	sst s1  }
0xa: {  	[smem:$0x3FA0] =	sst s2  }
0xb: {  	[smem:$0x3FA1] =	sst s3  }
0xc: {  	[smem:$0x3FA2] =	sst s4  }
0xd: {  	[smem:$0x3FA3] =	sst s5  }
0xe: {  	[smem:$0x3FA4] =	sst s6  }
0xf: {  	[smem:$0x3FA5] =	sst s7  }
0x10: {  	[smem:$0x3FA6] =	sst s8  }
0x11: {  	[smem:$0x3FA7] =	sst s9;
	s0 =	simm.s32 @!p0 $0x0  }
0x12: {  	s1 =	sld [smem:$0x3F8D];
	s0 =	simm.s32 @p0 $0x1  }
0x13: {  	[smem:$0x3FA8] =	sst s0;
	s0 =	simm.s32 @!p1 $0x0  }
0x14: {  	s2 =	sld [smem:$0x3F8C];
	s0 =	simm.s32 @p1 $0x1  }
0x15: {  	[smem:$0x3FA9] =	sst s0;
	s0 =	simm.s32 @!p2 $0x0  }
0x16: {  	s3 =	sld [smem:$0x3FDB];
	s0 =	simm.s32 @p2 $0x1  }
0x17: {  	s4 =	simm.s32 $0x1BF5;
	[smem:$0x3FAB] =	sst s0  }
0x18: {  	s0 =	sld [smem:$0x3F8E];
	_ =	swait.ge [sflag:s4], $0x0  }
0x19: {  	s7 =	sld [smem:$0x3F8F]  }
0x1a: {  	s8 =	sadd.s32 $0xFFFFE003, lr  }
0x1b: {  	s9 =	sadd.s32 $0xFFFFFEF7, lr;
	s5 =	simm.s32 $0xFFFFFFFF;
	p2 =	slt.u32 s8, $0xFFFFF086  }
0x1c: {  	p1 =	slt.u32 s9, $0xF7A;
	s5 =	simm.s32 @!p2 $0x0  }
0x1d: {  	s5 =	simm.s32 @p1 $0x1;
	p0 =	seq.s32 s7, s2  }
0x1e: {  	s7 =	smul.u32 @!p0 $0xF7A, s2;
	p2 =	seq.s32 @!p0 s5, $0x0  }
0x1f: {  	s9 =	smul.u32 $0xF7A, s1;
	s8 =	simm.s32 @!p0 $0x1BF5;
	p2 =	por !p2, p0  }
0x20: {  	[sflag:s8] =	ssyncset.s32 @!p0 $0xFFFFF086;
	s6 =	sadd.s32 @!p0 s3, s7;
	s7 =	simm.s32 @!p0 $0x108  }
0x21: {  	s3 =	sadd.s32 s3, s9;
	s6 =	sadd.s32 @!p0 $0x88, s6;
	s7 =	simm.s32 @p2 $0x1082  }
0x22: {  	[simem:s7], [sflag:s8] =	dma.local @!p0 [hbm:s6], $0xF7A  }
0x23: {  	s9 =	sor.u32 $0xD0000000, s2;
	s6 =	simm.s32 $0x108;
	_ =	swait.ge @!p0 [sflag:s8], $0x0  }
0x24: {  	s3 =	sadd.s32 $0x88, s3;
	s6 =	simm.s32 @!p1 $0x1082;
	[sflag:s4] =	ssyncset.s32 $0xFFFFF086  }
0x25: {  	[simem:s6], [sflag:s4] =	dma.local [hbm:s3], $0xF7A  }
0x26: {  	[smem:$0x3F8F] =	sst s1;
	(tag) =	ssettag s2;
	_ =	strace s9  }
0x27: {  	s1 =	sld [smem:$0x3F9F]  }
0x28: {  	s2 =	sld [smem:$0x3FA0]  }
0x29: {  	s4 =	sld [smem:$0x3FA2]  }
0x2a: {  	p0 =	seq.s32 s5, $0x0;
	s5 =	sld [smem:$0x3FA3]  }
0x2b: {  	s6 =	sld [smem:$0x3FA4]  }
0x2c: {  	s7 =	sld [smem:$0x3FA5]  }
0x2d: {  	s3 =	simm.s32 $0x108;
	s8 =	sld [smem:$0x3FA6]  }
0x2e: {  	s3 =	simm.s32 @!p0 $0x1082;
	s9 =	sld [smem:$0x3FA7]  }
0x2f: {  	lr =	sadd.s32 s0, s3;
	s0 =	sld [smem:$0x3F9E]  }
0x30: {  	s3 =	sld [smem:$0x3FA1]  }
0x31: {  	[smem:$0x3FAA] =	sst s10  }
0x32: {  	s10 =	sld [smem:$0x3FA8];
	_ =	sdelay $0x3  }
0x33: {  	p0 =	seq.s32 s10, $0x1;
	s10 =	sld [smem:$0x3FAA];
	_ =	sdelay $0x3  }
0x34: {  	[smem:$0x3FAA] =	sst s10  }
0x35: {  	s10 =	sld [smem:$0x3FA9];
	_ =	sdelay $0x3  }
0x36: {  	p1 =	seq.s32 s10, $0x1;
	s10 =	sld [smem:$0x3FAA];
	_ =	sdelay $0x3  }
0x37: {  	[smem:$0x3FAA] =	sst s10  }
0x38: {  	s10 =	sld [smem:$0x3FAB]  }
0x39: {  	_ = 	snop;
	(pc) =	sbr.ind lr, $3  }
0x3a: {  	_ = 	snop  }
0x3b: {  	_ = 	snop  }
0x3c: {  	p2 =	seq.s32 s10, $0x1;
	s10 =	sld [smem:$0x3FAA]  }
0x3d: {  	_ =	shalt  }
0x3e: {  	_ =	shalt  }
0x3f: {  	_ =	shalt  }
0x40: {  	_ =	shalt  }
0x41: {  	_ =	shalt  }
0x42: {  	_ =	shalt  }
0x43: {  	_ =	shalt  }
0x44: {  	_ =	shalt  }
0x45: {  	_ =	shalt  }
0x46: {  	_ =	shalt  }
0x47: {  	_ =	shalt  }
0x48: {  	_ =	shalt  }
0x49: {  	_ =	shalt  }
0x4a: {  	_ =	shalt  }
0x4b: {  	_ =	shalt  }
0x4c: {  	_ =	shalt  }
0x4d: {  	_ =	shalt  }
0x4e: {  	_ =	shalt  }
0x4f: {  	_ =	shalt  }
0x50: {  	_ =	shalt  }
0x51: {  	_ =	shalt  }
0x52: {  	_ =	shalt  }
0x53: {  	_ =	shalt  }
0x54: {  	_ =	shalt  }
0x55: {  	_ =	shalt  }
0x56: {  	_ =	shalt  }
0x57: {  	_ =	shalt  }
0x58: {  	_ =	shalt  }
0x59: {  	_ =	shalt  }
0x5a: {  	_ =	shalt  }
0x5b: {  	_ =	shalt  }
0x5c: {  	_ =	shalt  }
0x5d: {  	_ =	shalt  }
0x5e: {  	_ =	shalt  }
0x5f: {  	_ =	shalt  }
0x60: {  	_ =	shalt  }
0x61: {  	_ =	shalt  }
0x62: {  	_ =	shalt  }
0x63: {  	_ =	shalt  }
0x64: {  	_ =	shalt  }
0x65: {  	_ =	shalt  }
0x66: {  	_ =	shalt  }
0x67: {  	_ =	shalt  }
0x68: {  	_ =	shalt  }
0x69: {  	_ =	shalt  }
0x6a: {  	_ =	shalt  }
0x6b: {  	_ =	shalt  }
0x6c: {  	_ =	shalt  }
0x6d: {  	_ =	shalt  }
0x6e: {  	_ =	shalt  }
0x6f: {  	_ =	shalt  }
0x70: {  	_ =	shalt  }
0x71: {  	_ =	shalt  }
0x72: {  	_ =	shalt  }
0x73: {  	_ =	shalt  }
0x74: {  	_ =	shalt  }
0x75: {  	_ =	shalt  }
0x76: {  	_ =	shalt  }
0x77: {  	_ =	shalt  }
0x78: {  	_ =	shalt  }
0x79: {  	_ =	shalt  }
0x7a: {  	_ =	shalt  }
0x7b: {  	_ =	shalt  }
0x7c: {  	_ =	shalt  }
0x7d: {  	_ =	shalt  }
0x7e: {  	_ =	shalt  }
0x7f: {  	_ =	shalt  }
0x80: {  	_ =	shalt  }
0x81: {  	_ =	shalt  }
0x82: {  	_ =	shalt  }
0x83: {  	_ =	shalt  }
0x84: {  	_ =	shalt  }
0x85: {  	_ =	shalt  }
0x86: {  	_ =	shalt  }
0x87: {  	_ =	shalt  }
.Lfunc_end0:
.L_simem_size_0:
called_computation_lowered:
.L_overlay_start_0:
0x88: {  	s2 =	sld [smem:$0x3FD9]  }
0x89: {  	s3 =	sld [smem:$0x3FFE];
	_ =	sdelay $0x1  }
0x8a: {  	s1 =	srdreg.scid  }
0x8b: {  	s0 =	sand.u32 $0x1, s1  }
0x8c: {  	s16 =	sshll.u32 s0, $0xA;
	s2 =	sadd.s32 s3, s2  }
0x8d: {  	s2 =	sadd.s32 s2, s16  }
0x8e: {  	[smem:$0x3FB6] =	sst s2  }
0x8f: {  	_ = 	snop  }
0x90: {  	(tm) =	ssettm $0x1  }
0x91: {  	s17 =	sld [smem:$0x3FFB];
	_ =	sdelay $0x3  }
0x92: {  	_ =	strace s17  }
0x93: {  	s2 =	sld [smem:$0x3FFC];
	_ =	sdelay $0x3  }
0x94: {  	_ =	strace s2  }
0x95: {  	s2 =	sld [smem:$0x3FFD];
	_ =	sdelay $0x3  }
0x96: {  	_ =	strace s2  }
0x97: {  	_ =	strace $0x8FFFFFFF  }
0x98: {  	s18 =	sld [smem:$0x3FDB];
	_ =	sdelay $0x1  }
0x99: {  	s19 =	simm.s32 $_scs_section_size  }
0x9a: {  	s4 =	simm.s32 $_size__tile_overlayer_lowered;
	s5 =	simm.s32 $_tile_overlayer_lowered  }
0x9b: {  	s22 =	simm.s32 $0x1BFF;
	s21 =	sshll.u32 s5, $0x1;
	s2 =	sadd.s32 s19, s18  }
0x9c: {  	s6 =	simm.s32 $0x0;
	s20 =	sshll.u32 s4, $0x1;
	s4 =	sadd.s32 s21, s2  }
0x9d: {  	[timem:s6], [sflag:s22] =	dma.local [hbm:s4], s20  }
0x9e: {  	_ =	swait.ge [sflag:s22], s20  }
0x9f: {  	s3 =	ssub.s32 $0x0, s20;
	[sflag:s22] =	ssyncset.done $0x0  }
0xa0: {  	[sflag:s22] =	ssyncadd.s32 s3;
	_ =	sdelay $0x1  }
0xa1: {  	s23 =	simm.s32 $0x1B8B  }
0xa2: {  	_ =	swait.ge [sflag:s23], $0x1  }
0xa3: {  	[sflag:s23] =	ssyncset.done $0x0  }
0xa4: {  	s25 =	simm.s32 $0x1B8E;
	s24 =	sld [smem:$0x3FFE];
	[sflag:s23] =	ssyncadd.s32 $0xFFFFFFFF  }
0xa5: {  	s26 =	simm.s32 $execute0_lowered;
	[smem:$0x3FD2] =	sst s25  }
0xa6: {  	s4 =	sshll.u32 s26, $0x1;
	_ =	strace $0x80000046;
	[dreg:$0x1] =	wrdreg $0xFFFFFFFF  }
0xa7: {  	s28 =	simm.s32 $_size_execute0_lowered;
	s2 =	sadd.s32 s2, s4;
	[dreg:$0x0] =	wrdreg $0x0  }
0xa8: {  	s4 =	sshll.u32 s28, $0x1;
	[dreg:$0x2] =	wrdreg s2  }
0xa9: {  	[dreg:$0x3] =	wrdreg s4  }
0xaa: {  	[dreg:$0x4] =	wrdreg $0xC0  }
0xab: {  	_ =	task [dreg:s6], $0x5FFFF  }
0xac: {  	[dreg:$0x1] =	wrdreg $0xFFFFFFFF  }
0xad: {  	[dreg:$0x0] =	wrdreg $0x60  }
0xae: {  	[dreg:$0x2] =	wrdreg s24  }
0xaf: {  	[dreg:$0x3] =	wrdreg $0x9F000  }
0xb0: {  	[dreg:$0x4] =	wrdreg $0x9  }
0xb1: {  	_ =	task.clear_ibuf [dreg:s6], $0x5FFFF;
	_ =	strace $0x90000046  }
0xb2: {  	s29 =	simm.s32 $0x9;
	_ =	strace $0x80000048  }
0xb3: {  	_ =	swait.ge [sflag:s29], $0x1  }
0xb4: {  	[sflag:s29] =	ssyncadd.s32 $0xFFFFFFFF  }
0xb5: {  	_ =	strace $0x90000048  }
0xb6: {  	_ =	sfence  }
0xb7: {  	s30 =	sld [smem:$0x0];
	_ =	sdelay $0x2  }
0xb8: {  	s31 =	sshll.u32 s1, $0xD;
	s1 =	sshrl.u32 s1, $0x2  }
0xb9: {  	s3 =	sand.u32 $0x4000, s31;
	s1 =	sadd.s32 s1, s30  }
0xba: {  	s0 =	sor.u32 s3, s0;
	s1 =	sshll.u32 s1, $0x11  }
0xbb: {  	s0 =	sor.u32 s1, s0  }
0xbc: {  	s0 =	sadd.s32 $0x8F2B, s0  }
0xbd: {  	[sflag:s0] =	ssyncadd.remote.s32 $0x1  }
0xbe: {  	_ =	sfence.sel $0xFFFF  }
0xbf: {  	[dreg:$0x0] =	wrdreg $0xFFFFFFFF;
	(pc) =	sbr.abs _section_cstart, $3  }
0xc0: {  	[dreg:$0x1] =	wrdreg $0xFFFFFFFF  }
0xc1: {  	_ =	task.clear_ibuf [dreg:s6], $0x2FFFF;
	_ =	strace $0x9FFFFFFF  }
0xc2: {  	(tm) =	ssettm $0x7FFFFFFF  }
0xc3: {  	_ =	shalt  }
tec
execute0_lowered:
.L_overlay_start_1:
0x0: {  	(tag) =	ssettag $0x1  }
0x1: {  	s9 =	rddreg [dreg:$0x0]  }
0x2: {  	s0 =	srdreg.scid;
	s2 =	rddreg [dreg:$0x1];
	s3 =	simm.s32 $0x0  }
0x3: {  	s14 =	simm.s32 $0x2780;
	s18 =	simm.s32 $0x1;
	s19 =	simm.s32 $0x2  }
0x4: {  	s20 =	simm.s32 $0x50;
	s21 =	simm.s32 $0x4F00;
	s22 =	simm.s32 $0x7700  }
0x5: {  	s23 =	simm.s32 $0x3;
	s24 =	simm.s32 $0x4E40;
	s25 =	simm.s32 $0x0  }
0x6: {  	s6 =	sand.u32 $0x1, s0;
	s0 =	stileid.u32;
	[smem:$0x7FF] =	sst s3  }
0x7: {  	s5 =	sadd.s32 $0x17000, s9;
	s15 =	sadd.s32 $0x128400, s2;
	s1 =	sshll.u32 s6, $0x4  }
0x8: {  	s29 =	sshll.u32 s0, $0x7;
	s30 =	smul.u32 $0x27100, s6;
	s6 =	ssub.s32 $0x2, s6  }
0x9: {  	s10 =	smul.u32 $0x4F000, s0;
	p0 =	seq.s32 s0, $0xF;
	s4 =	sor.u32 s0, s1  }
0xa: {  	s1 =	rddreg [dreg:$0x2];
	_ =	strace $0x80000047;
	s8 =	sand.u32 $0x380, s29  }
0xb: {  	s12 =	sshrl.u32 s6, $0x1;
	s16 =	sshll.u32 @!p0 s0, $0x6;
	s4 =	sshrl.u32 s4, $0x3  }
0xc: {  	s15 =	sshrl.u32 @p0 s15, $0x3;
	s13 =	sadd.s32 s30, s9;
	s7 =	smul.u32 $0x13C00, s4  }
0xd: {  	s12 =	ssub.s32 s6, s12;
	s31 =	sshrl.u32 s10, $0x2;
	s4 =	smul.u32 $0x2780, s0  }
0xe: {  	s16 =	sor.u32 @!p0 $0x1C03, s16;
	s17 =	sadd.s32 s31, s2;
	s10 =	sadd.s32 $0x65400, s13  }
0xf: {  	s13 =	simm.s32 $0x400;
	s7 =	sor.u32 s8, s7;
	s11 =	sadd.s32 s4, s9  }
0x10: {  	s17 =	sshrl.u32 @!p0 s17, $0x3;
	s7 =	sshrl.u32 s7, $0x3;
	s8 =	sadd.s32 $0x3E200, s11  }
0x11: {  	s11 =	smax.u32 s12, $0x1;
	s12 =	simm.s32 $0x80;
	s7 =	sadd.s32 s7, s9  }
0x12: {  	s9 =	sadd.s32 $0x63280, s9;
	s6 =	sadd.s32 $0x3400, s7;
	s7 =	sadd.s32 $0xD200, s7  }
.LBB2_1:
0x13: {  	[tilespmem:s3], [sflag:$0x1] =	stream.strided.gather [hbm4b:s6+s12], $0x2780, s13, s12, $0x38;
	[tilespmem:$0x1D780] =	vst v63  }
0x14: {  	s26 =	simm.s32 @p0 $0x1FC3  }
0x15: {  	[tilespmem:s14], [sflag:$0x2] =	stream.strided.gather [hbm4b:s7+s12], $0x2780, s13, s12, $0x38;
	[tilespmem:$0x1D780] =	vst v63  }
0x16: {  	[spmem:s15], [sflag:s26] =	dma.local @p0 [hbm:s9], $0x2080  }
0x17: {  	s26 =	simm.s32 @p0 $0x3  }
0x18: {  	_ =	swait.ge @p0 [sflag:s26], $0x2080  }
0x19: {  	[sflag:s26] =	ssyncset.done @p0 $0x0  }
0x1a: {  	[sflag:s26] =	ssyncadd.s32 @p0 $0xFFFFDF80;
	s26 =	simm.s32 @!p0 $0x3  }
0x1b: {  	[spmem:s17], [sflag:s16] =	dma.local @!p0 [hbm:s8], $0x2780  }
0x1c: {  	_ =	swait.ge @!p0 [sflag:s26], $0x2780  }
0x1d: {  	[sflag:s26] =	ssyncset.done @!p0 $0x0  }
0x1e: {  	[sflag:s26] =	ssyncadd.s32 @!p0 $0xFFFFD880  }
0x1f: {  	_ =	swait.ge [sflag:s18], $0x2780  }
0x20: {  	[sflag:s18] =	ssyncset.done $0x0  }
0x21: {  	[sflag:s18] =	ssyncadd.s32 $0xFFFFD880  }
0x22: {  	_ =	swait.ge [sflag:s19], $0x2780  }
0x23: {  	[sflag:s19] =	ssyncset.done $0x0  }
0x24: {  	[sflag:s19] =	ssyncadd.s32 $0xFFFFD880  }
0x25: {  	[tilespmem:s21], [sflag:$0x1] =	stream.indirect.gather [hbm4b:s5+s20], $0x80, s3, s20, $0xb8;
	[tilespmem:$0x1D780] =	vst v63  }
0x26: {  	s29 =	simm.s32 $0x50;
	[bflag:$0x0] =	sbarrier.arrive $0xFFFF  }
0x27: {  	[tilespmem:s22], [sflag:$0x2] =	stream.indirect.gather [hbm4b:s5+s20], $0x80, s29, s20, $0xb8;
	[tilespmem:$0x1D780] =	vst v63  }
0x28: {  	_ =	swait.ge [sflag:s18], $0x2800  }
0x29: {  	[sflag:s18] =	ssyncset.done $0x0  }
0x2a: {  	s31 =	simm.s32 $0x2780;
	[sflag:s18] =	ssyncadd.s32 $0xFFFFD800  }
0x2b: {  	[spmem:s2] =	stream.indirect.scatter.add.f32 [tilespmem:s21], [sflag:$0x3], $0x80, s31, s20, $0xb8;
	[tilespmem:$0x1D780] =	vst v63  }
0x2c: {  	_ =	swait.ge [sflag:s23], $0x2800  }
0x2d: {  	[sflag:s23] =	ssyncset.done $0x0  }
0x2e: {  	s28 =	simm.s32 $0xA0;
	[sflag:s23] =	ssyncadd.s32 $0xFFFFD800  }
0x2f: {  	[tilespmem:s21], [sflag:$0x1] =	stream.indirect.gather [hbm4b:s5+s20], $0x80, s28, s20, $0xb8;
	[tilespmem:$0x1D780] =	vst v63  }
0x30: {  	_ =	swait.ge [sflag:s19], $0x2800  }
0x31: {  	[sflag:s19] =	ssyncset.done $0x0  }
0x32: {  	s29 =	simm.s32 $0x27D0;
	[sflag:s19] =	ssyncadd.s32 $0xFFFFD800  }
0x33: {  	[spmem:s2] =	stream.indirect.scatter.add.f32 [tilespmem:s22], [sflag:$0x3], $0x80, s29, s20, $0xb8;
	[tilespmem:$0x1D780] =	vst v63  }
0x34: {  	_ =	swait.ge [sflag:s23], $0x2800  }
0x35: {  	[sflag:s23] =	ssyncset.done $0x0  }
0x36: {  	s31 =	simm.s32 $0xF0;
	[sflag:s23] =	ssyncadd.s32 $0xFFFFD800  }
0x37: {  	[tilespmem:s22], [sflag:$0x2] =	stream.indirect.gather [hbm4b:s5+s20], $0x80, s31, s20, $0xb8;
	[tilespmem:$0x1D780] =	vst v63  }
0x38: {  	_ =	swait.ge [sflag:s18], $0x2800  }
0x39: {  	[sflag:s18] =	ssyncset.done $0x0  }
0x3a: {  	s28 =	simm.s32 $0x2820;
	[sflag:s18] =	ssyncadd.s32 $0xFFFFD800  }
0x3b: {  	[spmem:s2] =	stream.indirect.scatter.add.f32 [tilespmem:s21], [sflag:$0x3], $0x80, s28, s20, $0xb8;
	[tilespmem:$0x1D780] =	vst v63  }
0x3c: {  	_ =	swait.ge [sflag:s23], $0x2800  }
0x3d: {  	[sflag:s23] =	ssyncset.done $0x0  }
0x3e: {  	s29 =	simm.s32 $0x140;
	[sflag:s23] =	ssyncadd.s32 $0xFFFFD800  }
0x3f: {  	[tilespmem:s21], [sflag:$0x1] =	stream.indirect.gather [hbm4b:s5+s20], $0x80, s29, s20, $0xb8;
	[tilespmem:$0x1D780] =	vst v63  }
0x40: {  	_ =	swait.ge [sflag:s19], $0x2800  }
0x41: {  	[sflag:s19] =	ssyncset.done $0x0  }
0x42: {  	s31 =	simm.s32 $0x2870;
	[sflag:s19] =	ssyncadd.s32 $0xFFFFD800  }
0x43: {  	[spmem:s2] =	stream.indirect.scatter.add.f32 [tilespmem:s22], [sflag:$0x3], $0x80, s31, s20, $0xb8;
	[tilespmem:$0x1D780] =	vst v63  }
0x44: {  	_ =	swait.ge [sflag:s23], $0x2800  }
0x45: {  	s30 =	simm.s32 $0xA00;
	s26 =	simm.s32 $0x140;
	[sflag:s23] =	ssyncset.done $0x0  }
.LBB2_2:
0x46: {  	s31 =	sadd.s32 $0x50, s26  }
0x47: {  	[sflag:s23] =	ssyncadd.s32 $0xFFFFD800;
	s29 =	smov.u32 s30;
	s28 =	sadd.s32 $0x500, s30  }
0x48: {  	[tilespmem:s22], [sflag:$0x2] =	stream.indirect.gather [hbm4b:s5+s20], $0x80, s31, s20, $0xb8;
	[tilespmem:$0x1D780] =	vst v63  }
0x49: {  	p1 =	sne.s32 s30, $0x9600;
	_ =	swait.ge [sflag:s18], $0x2800  }
0x4a: {  	[sflag:s18] =	ssyncset.done $0x0  }
0x4b: {  	s30 =	sadd.s32 $0x2780, s26;
	[sflag:s18] =	ssyncadd.s32 $0xFFFFD800  }
0x4c: {  	[spmem:s2] =	stream.indirect.scatter.add.f32 [tilespmem:s21], [sflag:$0x3], $0x80, s30, s20, $0xb8;
	[tilespmem:$0x1D780] =	vst v63  }
0x4d: {  	_ =	swait.ge [sflag:s23], $0x2800  }
0x4e: {  	[sflag:s23] =	ssyncset.done $0x0  }
0x4f: {  	s30 =	sadd.s32 $0xA0, s26;
	[sflag:s23] =	ssyncadd.s32 $0xFFFFD800  }
0x50: {  	[tilespmem:s21], [sflag:$0x1] =	stream.indirect.gather [hbm4b:s5+s20], $0x80, s30, s20, $0xb8;
	[tilespmem:$0x1D780] =	vst v63  }
0x51: {  	_ =	swait.ge [sflag:s19], $0x2800  }
0x52: {  	[sflag:s19] =	ssyncset.done $0x0  }
0x53: {  	s30 =	sadd.s32 $0x27D0, s26;
	[sflag:s19] =	ssyncadd.s32 $0xFFFFD800  }
0x54: {  	[spmem:s2] =	stream.indirect.scatter.add.f32 [tilespmem:s22], [sflag:$0x3], $0x80, s30, s20, $0xb8;
	[tilespmem:$0x1D780] =	vst v63  }
0x55: {  	_ =	swait.ge [sflag:s23], $0x2800  }
0x56: {  	[sflag:s23] =	ssyncset.done $0x0  }
0x57: {  	s30 =	sadd.s32 $0xF0, s26;
	[sflag:s23] =	ssyncadd.s32 $0xFFFFD800  }
0x58: {  	[tilespmem:s22], [sflag:$0x2] =	stream.indirect.gather [hbm4b:s5+s20], $0x80, s30, s20, $0xb8;
	[tilespmem:$0x1D780] =	vst v63  }
0x59: {  	_ =	swait.ge [sflag:s18], $0x2800  }
0x5a: {  	[sflag:s18] =	ssyncset.done $0x0  }
0x5b: {  	s30 =	sadd.s32 $0x2820, s26;
	[sflag:s18] =	ssyncadd.s32 $0xFFFFD800  }
0x5c: {  	[spmem:s2] =	stream.indirect.scatter.add.f32 [tilespmem:s21], [sflag:$0x3], $0x80, s30, s20, $0xb8;
	[tilespmem:$0x1D780] =	vst v63  }
0x5d: {  	_ =	swait.ge [sflag:s23], $0x2800  }
0x5e: {  	[sflag:s23] =	ssyncset.done $0x0  }
0x5f: {  	s30 =	sadd.s32 $0x140, s26;
	[sflag:s23] =	ssyncadd.s32 $0xFFFFD800  }
0x60: {  	[tilespmem:s21], [sflag:$0x1] =	stream.indirect.gather [hbm4b:s5+s20], $0x80, s30, s20, $0xb8;
	[tilespmem:$0x1D780] =	vst v63  }
0x61: {  	_ =	swait.ge [sflag:s19], $0x2800  }
.Ltmp0:
0x62: {  	[sflag:s19] =	ssyncset.done $0x0;
	(pc) =	sbr.rel @p1 .LBB2_2-.Ltmp0, $4  }
0x63: {  	s26 =	sadd.s32 $0x2870, s26;
	[sflag:s19] =	ssyncadd.s32 $0xFFFFD800  }
0x64: {  	[spmem:s2] =	stream.indirect.scatter.add.f32 [tilespmem:s22], [sflag:$0x3], $0x80, s26, s20, $0xb8;
	[tilespmem:$0x1D780] =	vst v63  }
0x65: {  	_ =	swait.ge [sflag:s23], $0x2800  }
0x66: {  	s30 =	smov.u32 s28;
	s26 =	sshra.s32 s29, $0x2;
	[sflag:s23] =	ssyncset.done $0x0  }
0x67: {  	s28 =	sadd.s32 $0x50, s26;
	[sflag:s23] =	ssyncadd.s32 $0xFFFFD800  }
0x68: {  	[tilespmem:s22], [sflag:$0x2] =	stream.indirect.gather [hbm4b:s5+s20], $0x80, s28, s20, $0xb8;
	[tilespmem:$0x1D780] =	vst v63  }
0x69: {  	_ =	swait.ge [sflag:s18], $0x2800  }
0x6a: {  	[sflag:s18] =	ssyncset.done $0x0  }
0x6b: {  	s31 =	sadd.s32 $0x2780, s26;
	[sflag:s18] =	ssyncadd.s32 $0xFFFFD800  }
0x6c: {  	[spmem:s2] =	stream.indirect.scatter.add.f32 [tilespmem:s21], [sflag:$0x3], $0x80, s31, s20, $0xb8;
	[tilespmem:$0x1D780] =	vst v63  }
0x6d: {  	_ =	swait.ge [sflag:s23], $0x2800  }
0x6e: {  	[sflag:s23] =	ssyncset.done $0x0  }
0x6f: {  	s29 =	sadd.s32 $0xA0, s26;
	[sflag:s23] =	ssyncadd.s32 $0xFFFFD800  }
0x70: {  	[tilespmem:s21], [sflag:$0x1] =	stream.indirect.gather [hbm4b:s5+s20], $0x80, s29, s20, $0xb8;
	[tilespmem:$0x1D780] =	vst v63  }
0x71: {  	_ =	swait.ge [sflag:s19], $0x2800  }
0x72: {  	[sflag:s19] =	ssyncset.done $0x0  }
0x73: {  	s30 =	sadd.s32 $0x27D0, s26;
	[sflag:s19] =	ssyncadd.s32 $0xFFFFD800  }
0x74: {  	[spmem:s2] =	stream.indirect.scatter.add.f32 [tilespmem:s22], [sflag:$0x3], $0x80, s30, s20, $0xb8;
	[tilespmem:$0x1D780] =	vst v63  }
0x75: {  	_ =	swait.ge [sflag:s23], $0x2800  }
0x76: {  	[sflag:s23] =	ssyncset.done $0x0  }
0x77: {  	s31 =	sadd.s32 $0xF0, s26;
	[sflag:s23] =	ssyncadd.s32 $0xFFFFD800  }
0x78: {  	[tilespmem:s22], [sflag:$0x2] =	stream.indirect.gather [hbm4b:s5+s20], $0x80, s31, s20, $0xb8;
	[tilespmem:$0x1D780] =	vst v63  }
0x79: {  	_ =	swait.ge [sflag:s18], $0x2800  }
0x7a: {  	[sflag:s18] =	ssyncset.done $0x0  }
0x7b: {  	s29 =	sadd.s32 $0x2820, s26;
	[sflag:s18] =	ssyncadd.s32 $0xFFFFD800  }
0x7c: {  	[spmem:s2] =	stream.indirect.scatter.add.f32 [tilespmem:s21], [sflag:$0x3], $0x80, s29, s20, $0xb8;
	[tilespmem:$0x1D780] =	vst v63  }
0x7d: {  	_ =	swait.ge [sflag:s23], $0x2800  }
0x7e: {  	[sflag:s23] =	ssyncset.done $0x0  }
0x7f: {  	s30 =	sadd.s32 $0x140, s26;
	[sflag:s23] =	ssyncadd.s32 $0xFFFFD800  }
0x80: {  	[tilespmem:s21], [sflag:$0x1] =	stream.indirect.gather [hbm4b:s5+s20], $0x80, s30, s20, $0xb8;
	[tilespmem:$0x1D780] =	vst v63  }
0x81: {  	_ =	swait.ge [sflag:s19], $0x2800  }
0x82: {  	[sflag:s19] =	ssyncset.done $0x0  }
0x83: {  	s31 =	sadd.s32 $0x2870, s26;
	[sflag:s19] =	ssyncadd.s32 $0xFFFFD800  }
0x84: {  	[spmem:s2] =	stream.indirect.scatter.add.f32 [tilespmem:s22], [sflag:$0x3], $0x80, s31, s20, $0xb8;
	[tilespmem:$0x1D780] =	vst v63  }
0x85: {  	_ =	swait.ge [sflag:s23], $0x2800  }
0x86: {  	[sflag:s23] =	ssyncset.done $0x0  }
0x87: {  	[sflag:s23] =	ssyncadd.s32 $0xFFFFD800  }
0x88: {  	_ =	swait.ge [sflag:s18], $0x2800  }
0x89: {  	[sflag:s18] =	ssyncset.done $0x0  }
0x8a: {  	[sflag:s18] =	ssyncadd.s32 $0xFFFFD800  }
0x8b: {  	[spmem:s2] =	stream.indirect.scatter.add.f32 [tilespmem:s21], [sflag:$0x3], $0x80, s24, s20, $0xb8;
	[tilespmem:$0x1D780] =	vst v63  }
0x8c: {  	_ =	swait.ge [sflag:s23], $0x2800  }
0x8d: {  	[sflag:s23] =	ssyncset.done $0x0  }
0x8e: {  	[sflag:s23] =	ssyncadd.s32 $0xFFFFD800  }
0x8f: {  	s28 =	simm.s32 @p0 $0x1FC3;
	s26 =	sadd.s32 @p0 $0x25080, s10;
	[bflag:$0x0] =	sbarrier.arrive $0xFFFF  }
0x90: {  	[hbm:s26], [sflag:s28] =	dma.local @p0 [spmem:s15], $0x2080  }
0x91: {  	s26 =	simm.s32 @p0 $0x3  }
0x92: {  	_ =	swait.ge @p0 [sflag:s26], $0x2080  }
0x93: {  	s25 =	sadd.s32 $0x1, s25;
	[sflag:s26] =	ssyncset.done @p0 $0x0  }
0x94: {  	p1 =	sne.s32 s25, s11;
	[sflag:s26] =	ssyncadd.s32 @p0 $0xFFFFDF80;
	s26 =	sadd.s32 @!p0 s4, s10  }
0x95: {  	[hbm:s26], [sflag:s16] =	dma.local @!p0 [spmem:s17], $0x2780  }
.Ltmp1:
0x96: {  	_ = 	snop;
	(pc) =	sbr.rel @p1 .LBB2_1-.Ltmp1, $4  }
0x97: {  	s26 =	simm.s32 @!p0 $0x3  }
0x98: {  	_ =	swait.ge @!p0 [sflag:s26], $0x2780  }
0x99: {  	[sflag:s26] =	ssyncset.done @!p0 $0x0  }
0x9a: {  	[sflag:s26] =	ssyncadd.s32 @!p0 $0xFFFFD880  }
0x9b: {  	_ =	sfence.sel $0x180000  }
0x9c: {  	[bflag:$0x0] =	sbarrier.arrive $0xFFFF  }
0x9d: {  	p0 =	sne.s32 s0, $0x0;
	_ =	strace $0x90000047  }
0x9e: {  	s0 =	sadd.s32 @!p0 $0x100000, s1;
	[bflag:$0x2] =	sbarrier.arrive $0xFFFF  }
0x9f: {  	[sflag:s0] =	ssyncadd.tile.s32 @!p0 $0x1;
	_ =	shalt  }
.Lfunc_end2:
_tile_overlayer_lowered:
.L_overlay_start_2:
0xa0: {  	(tag) =	ssettag $0x2  }
0xa1: {  	s0 =	rddreg [dreg:$0x0];
	s2 =	stileid.u32  }
0xa2: {  	s1 =	rddreg [dreg:$0x1];
	p0 =	sne.s32 s2, $0x0  }
0xa3: {  	s3 =	rddreg [dreg:$0x2];
	[bflag:$0x3] =	sbarrier.arrive $0xFFFF;
	s2 =	simm.s32 @!p0 $0x1C03  }
0xa4: {  	[timem:s3], [sflag:s2] =	dma.local @!p0 [hbm:s0], s1  }
0xa5: {  	s0 =	simm.s32 @!p0 $0x3  }
0xa6: {  	_ =	swait.ge @!p0 [sflag:s0], s1  }
0xa7: {  	s1 =	ssub.s32 @!p0 $0x0, s1;
	[sflag:s0] =	ssyncset.done @!p0 $0x0  }
0xa8: {  	[sflag:s0] =	ssyncadd.s32 @!p0 s1  }
0xa9: {  	[bflag:$0x3] =	sbarrier.arrive $0xFFFF  }
0xaa: {  	_ =	shalt  }

</sc_bundles>
